<compile_context>
chip_gen: v7x
topology: tpu7x:2x2x1
jax: 0.10.2.dev20260603
libtpu: 0.0.44.dev20260713+nightly
codegen_flags: <defaults>
</compile_context>

<pallas_src>
import jax
import jax.numpy as jnp
from jax import lax
from jax.experimental import pallas as pl
from jax.experimental.pallas import tpu as pltpu, tpu_sc as plsc

_VOCAB = 1000012
_VOCAB_PAD = 1000448
_BATCH = 16384
_N_SPARSE = 26
_D_DENSE = 13

_NC = 2
_NS = 16
_NW = _NC * _NS
_BPW = _BATCH // _NW
_NBLK = _BPW // 16
_CHUNKS = ((0, 5), (5, 13), (13, 20), (20, 26))


def _sc_body(dense_hbm, sparse_hbm, table_hbm, wd_hbm, bias_hbm, out_hbm,
             idx_v, vals_v, dn_v, consts_v, out_v, sem, dsem, isem):
    wid = lax.axis_index("s") * _NC + lax.axis_index("c")
    base = wid * _BPW

    def sp_row(f, carry):
        pltpu.async_copy(sparse_hbm.at[f, pl.ds(base, _BPW)],
                         idx_v.at[pl.ds(f * _BPW, _BPW)], isem)
        return carry

    lax.fori_loop(0, _N_SPARSE, sp_row, 0)

    def dn_row(k, carry):
        pltpu.async_copy(dense_hbm.at[k, pl.ds(base, _BPW)],
                         dn_v.at[pl.ds(k * _BPW, _BPW)], dsem)
        return carry

    lax.fori_loop(0, _D_DENSE, dn_row, 0)
    pltpu.sync_copy(wd_hbm, consts_v.at[pl.ds(0, _D_DENSE)])
    pltpu.sync_copy(bias_hbm, consts_v.at[pl.ds(16, 1)])

    for (s, e) in _CHUNKS:
        def drain_i(f, carry):
            pltpu.make_async_copy(sparse_hbm.at[f, pl.ds(base, _BPW)],
                                  idx_v.at[pl.ds(f * _BPW, _BPW)],
                                  isem).wait()
            return carry

        lax.fori_loop(s, e, drain_i, 0)
        n = (e - s) * _BPW
        pltpu.async_copy(table_hbm.at[idx_v.at[pl.ds(s * _BPW, n)]],
                         vals_v.at[pl.ds(s * _BPW, n)], sem)

    def drain_d(k, carry):
        pltpu.make_async_copy(dense_hbm.at[k, pl.ds(base, _BPW)],
                              dn_v.at[pl.ds(k * _BPW, _BPW)], dsem).wait()
        return carry

    lax.fori_loop(0, _D_DENSE, drain_d, 0)

    cv = consts_v[pl.ds(0, 16)]
    bv = consts_v[pl.ds(8, 16)]

    def blk_body(blk, carry):
        off = blk * 16
        acc = jnp.full((16,), bv[8], jnp.float32)
        for k in range(_D_DENSE):
            acc = acc + dn_v[pl.ds(k * _BPW + off, 16)] * cv[k]
        out_v[pl.ds(off, 16)] = acc
        return carry

    lax.fori_loop(0, _NBLK, blk_body, 0)

    for (s, e) in _CHUNKS:
        n = (e - s) * _BPW
        pltpu.make_async_copy(table_hbm.at[idx_v.at[pl.ds(s * _BPW, n)]],
                              vals_v.at[pl.ds(s * _BPW, n)], sem).wait()

        def acc_blk(blk, carry2):
            off = blk * 16
            acc = out_v[pl.ds(off, 16)]
            for f in range(s, e):
                acc = acc + vals_v[pl.ds(f * _BPW + off, 16)]
            out_v[pl.ds(off, 16)] = acc
            return carry2

        lax.fori_loop(0, _NBLK, acc_blk, 0, unroll=4)
    pltpu.sync_copy(out_v, out_hbm.at[pl.ds(base, _BPW)])


def kernel(dense_input, sparse_input, weight_sparse, weight_dense, bias):
    sparse_t = sparse_input.astype(jnp.int32).T
    dense_t = dense_input.T
    table_flat = jnp.pad(
        weight_sparse, ((0, _VOCAB_PAD - _VOCAB), (0, 0))).reshape(_VOCAB_PAD)
    wd_flat = weight_dense.reshape(_D_DENSE)
    mesh = plsc.VectorSubcoreMesh(core_axis_name="c", subcore_axis_name="s")
    run = pl.kernel(
        _sc_body,
        out_type=jax.ShapeDtypeStruct((_BATCH,), jnp.float32),
        mesh=mesh,
        compiler_params=pltpu.CompilerParams(needs_layout_passes=False),
        scratch_types=[
            pltpu.VMEM((_N_SPARSE * _BPW,), jnp.int32),
            pltpu.VMEM((_N_SPARSE * _BPW,), jnp.float32),
            pltpu.VMEM((_D_DENSE * _BPW,), jnp.float32),
            pltpu.VMEM((24,), jnp.float32),
            pltpu.VMEM((_BPW,), jnp.float32),
            pltpu.SemaphoreType.DMA,
            pltpu.SemaphoreType.DMA,
            pltpu.SemaphoreType.DMA,
        ],
    )
    out = run(dense_t, sparse_t, table_flat, wd_flat, bias)
    return out.reshape(_BATCH, 1)

# --- scband reference (transcript-rebuilt; emitter-appended) ---
"""Pipeline reference for scband-linear-57535381897661 (READ-ONLY COPY).

The authoritative reference and input builder live on the scoring server;
editing this copy changes nothing except your own understanding.
"""

import jax, jax.numpy as jnp
import numpy as np

VOCAB = 1000012
BATCH = 16384
N_SPARSE = 26
D_DENSE = 13

def setup_inputs(seed: int = 0) -> dict:
    key = jax.random.key(seed)
    k1, k2, k3, k4 = jax.random.split(key, 4)
    dense_input = jax.random.normal(k1, (BATCH, D_DENSE), dtype=jnp.float32)
    sparse_input = jax.random.randint(k2, (BATCH, N_SPARSE), 0, VOCAB, dtype=jnp.int64)
    # glorot_normal-ish init for embedding table [sum(field_dim), 1]
    weight_sparse = jax.random.normal(k3, (VOCAB, 1), dtype=jnp.float32) * np.sqrt(2.0 / (VOCAB + 1))
    weight_dense = jax.random.normal(k4, (D_DENSE, 1), dtype=jnp.float32) * np.sqrt(2.0 / (D_DENSE + 1))
    bias = jnp.zeros((1,), dtype=jnp.float32)
    return {"dense_input": dense_input, "sparse_input": sparse_input, "weight_sparse": weight_sparse, "weight_dense": weight_dense, "bias": bias}

def reference(dense_input, sparse_input, weight_sparse, weight_dense, bias):
    # linear_dense = tensordot(dense_input, weight_dense, axes=(1, 0)) -> [B, 1]
    linear_dense = jnp.tensordot(dense_input, weight_dense, axes=((1,), (0,)))
    # embedding lookup: [B, 26, 1], then reduce_sum over field axis with keepdims -> [B, 1]
    emb = jnp.take(weight_sparse, sparse_input, axis=0)
    linear_sparse = jnp.sum(emb, axis=1, keepdims=False)
    return bias + linear_dense + linear_sparse

if __name__ == "__main__":
    import jax
    _d = setup_inputs()
    print(jax.jit(kernel)(*tuple(_d.values())))

</pallas_src>

<mosaic_0001>
#map = affine_map<(d0, d1) -> (0, 0)>
#map1 = affine_map<(d0, d1) -> (0)>
module attributes {stable_mosaic.version = 14 : i64} {
  func.func @_sc_body(%arg0: i32, %arg1: i32, %arg2: memref<13x16384xf32, #tpu.memory_space<hbm>>, %arg3: memref<26x16384xi32, #tpu.memory_space<hbm>>, %arg4: memref<1000448xf32, #tpu.memory_space<hbm>>, %arg5: memref<13xf32, #tpu.memory_space<hbm>>, %arg6: memref<1xf32, #tpu.memory_space<hbm>>, %arg7: memref<16384xf32, #tpu.memory_space<hbm>>, %arg8: memref<13312xi32, #tpu.memory_space<vmem>>, %arg9: memref<13312xf32, #tpu.memory_space<vmem>>, %arg10: memref<6656xf32, #tpu.memory_space<vmem>>, %arg11: memref<24xf32, #tpu.memory_space<vmem>>, %arg12: memref<512xf32, #tpu.memory_space<vmem>>, %arg13: memref<!tpu.dma_semaphore, #tpu.memory_space<semaphore_mem>>, %arg14: memref<!tpu.dma_semaphore, #tpu.memory_space<semaphore_mem>>, %arg15: memref<!tpu.dma_semaphore, #tpu.memory_space<semaphore_mem>>) attributes {dimension_semantics = [#tpu.dimension_semantics<core_parallel>, #tpu.dimension_semantics<subcore_parallel>], iteration_bounds = array<i64: 2, 16>, scalar_prefetch = 0 : i64, scratch_operands = 8 : i64, tpu.core_type = #tpu.core_type<sc_vector_subcore>, window_params = [{transform_indices = #map}, {transform_indices = #map}, {transform_indices = #map1}, {transform_indices = #map1}, {transform_indices = #map1}, {transform_indices = #map1}]} {
    %mul3A = arith.constant 2 : i32
    %mul3A_0 = arith.muli %arg1, %mul3A : i32
    %add3A = arith.addi %mul3A_0, %arg0 : i32
    %mul3A_1 = arith.constant 512 : i32
    %mul3A_2 = arith.muli %add3A, %mul3A_1 : i32
    %scan3A = arith.constant 0 : i32
    %scan3A_3 = arith.constant 0 : i32
    %scan3A_4 = arith.constant 26 : i32
    %scan3A_5 = arith.addi %scan3A_3, %scan3A_4 : i32
    %scan3A_6 = arith.constant 1 : i32
    scf.for %scan3A_123 = %scan3A_3 to %scan3A_5 step %scan3A_6  : i32 {
      %mul3A_124 = arith.constant 512 : i32
      %mul3A_125 = arith.muli %scan3A_123, %mul3A_124 : i32
      %dma_start3A_126 = tpu.memref_slice %arg8[%mul3A_125] : memref<13312xi32, #tpu.memory_space<vmem>> -> memref<512xi32, #tpu.memory_space<vmem>>
      %dma_start3A_127 = tpu.memref_slice %arg3[%scan3A_123, %mul3A_2] : memref<26x16384xi32, #tpu.memory_space<hbm>> -> memref<1x512xi32, #tpu.memory_space<hbm>>
      %dma_start3A_128 = tpu.memref_squeeze %dma_start3A_127 : memref<1x512xi32, #tpu.memory_space<hbm>> -> memref<512xi32, #tpu.memory_space<hbm>>
      %dma_start3A_129 = tpu.memref_slice %arg8[%mul3A_125] : memref<13312xi32, #tpu.memory_space<vmem>> -> memref<512xi32, #tpu.memory_space<vmem>>
      %dma_start3A_130 = tpu.memref_slice %arg3[%scan3A_123, %mul3A_2] : memref<26x16384xi32, #tpu.memory_space<hbm>> -> memref<1x512xi32, #tpu.memory_space<hbm>>
      %dma_start3A_131 = tpu.memref_squeeze %dma_start3A_130 : memref<1x512xi32, #tpu.memory_space<hbm>> -> memref<512xi32, #tpu.memory_space<hbm>>
      tpu.enqueue_dma source(%dma_start3A_131 : memref<512xi32, #tpu.memory_space<hbm>>) target(%dma_start3A_129 : memref<512xi32, #tpu.memory_space<vmem>>) target_semaphore(%arg15 : memref<!tpu.dma_semaphore, #tpu.memory_space<semaphore_mem>>)
    }
    %scan3A_7 = arith.constant 26 : i32
    %scan3A_8 = arith.constant 0 : i32
    %scan3A_9 = arith.constant 0 : i32
    %scan3A_10 = arith.constant 13 : i32
    %scan3A_11 = arith.addi %scan3A_9, %scan3A_10 : i32
    %scan3A_12 = arith.constant 1 : i32
    scf.for %scan3A_123 = %scan3A_9 to %scan3A_11 step %scan3A_12  : i32 {
      %mul3A_124 = arith.constant 512 : i32
      %mul3A_125 = arith.muli %scan3A_123, %mul3A_124 : i32
      %dma_start3A_126 = tpu.memref_slice %arg10[%mul3A_125] : memref<6656xf32, #tpu.memory_space<vmem>> -> memref<512xf32, #tpu.memory_space<vmem>>
      %dma_start3A_127 = tpu.memref_slice %arg2[%scan3A_123, %mul3A_2] : memref<13x16384xf32, #tpu.memory_space<hbm>> -> memref<1x512xf32, #tpu.memory_space<hbm>>
      %dma_start3A_128 = tpu.memref_squeeze %dma_start3A_127 : memref<1x512xf32, #tpu.memory_space<hbm>> -> memref<512xf32, #tpu.memory_space<hbm>>
      %dma_start3A_129 = tpu.memref_slice %arg10[%mul3A_125] : memref<6656xf32, #tpu.memory_space<vmem>> -> memref<512xf32, #tpu.memory_space<vmem>>
      %dma_start3A_130 = tpu.memref_slice %arg2[%scan3A_123, %mul3A_2] : memref<13x16384xf32, #tpu.memory_space<hbm>> -> memref<1x512xf32, #tpu.memory_space<hbm>>
      %dma_start3A_131 = tpu.memref_squeeze %dma_start3A_130 : memref<1x512xf32, #tpu.memory_space<hbm>> -> memref<512xf32, #tpu.memory_space<hbm>>
      tpu.enqueue_dma source(%dma_start3A_131 : memref<512xf32, #tpu.memory_space<hbm>>) target(%dma_start3A_129 : memref<512xf32, #tpu.memory_space<vmem>>) target_semaphore(%arg14 : memref<!tpu.dma_semaphore, #tpu.memory_space<semaphore_mem>>)
    }
    %scan3A_13 = arith.constant 13 : i32
    "tpu.region"() ({
      %run_scoped3A = tpu.sem_alloc : memref<!tpu.dma_semaphore, #tpu.memory_space<semaphore_mem>>
      %dma_start3A_123 = arith.constant 0 : i32
      %dma_start3A_124 = tpu.memref_slice %arg11[%dma_start3A_123] : memref<24xf32, #tpu.memory_space<vmem>> -> memref<13xf32, #tpu.memory_space<vmem>>
      %dma_start3A_125 = arith.constant 0 : i32
      %dma_start3A_126 = tpu.memref_slice %arg11[%dma_start3A_125] : memref<24xf32, #tpu.memory_space<vmem>> -> memref<13xf32, #tpu.memory_space<vmem>>
      tpu.enqueue_dma source(%arg5 : memref<13xf32, #tpu.memory_space<hbm>>) target(%dma_start3A_126 : memref<13xf32, #tpu.memory_space<vmem>>) target_semaphore(%run_scoped3A : memref<!tpu.dma_semaphore, #tpu.memory_space<semaphore_mem>>)
      %dma_wait3A_127 = arith.constant 0 : i32
      %dma_wait3A_128 = tpu.memref_slice %arg11[%dma_wait3A_127] : memref<24xf32, #tpu.memory_space<vmem>> -> memref<13xf32, #tpu.memory_space<vmem>>
      %dma_wait3A_129 = arith.constant 0 : i32
      %dma_wait3A_130 = tpu.memref_slice %arg11[%dma_wait3A_129] : memref<24xf32, #tpu.memory_space<vmem>> -> memref<13xf32, #tpu.memory_space<vmem>>
      tpu.wait_dma2 semaphore(%run_scoped3A : memref<!tpu.dma_semaphore, #tpu.memory_space<semaphore_mem>>) src(%arg5 : memref<13xf32, #tpu.memory_space<hbm>>) dst(%dma_wait3A_130 : memref<13xf32, #tpu.memory_space<vmem>>)
      tpu.yield
    }) : () -> ()
    "tpu.region"() ({
      %run_scoped3A = tpu.sem_alloc : memref<!tpu.dma_semaphore, #tpu.memory_space<semaphore_mem>>
      %dma_start3A_123 = arith.constant 16 : i32
      %dma_start3A_124 = tpu.memref_slice %arg11[%dma_start3A_123] : memref<24xf32, #tpu.memory_space<vmem>> -> memref<1xf32, #tpu.memory_space<vmem>>
      %dma_start3A_125 = arith.constant 16 : i32
      %dma_start3A_126 = tpu.memref_slice %arg11[%dma_start3A_125] : memref<24xf32, #tpu.memory_space<vmem>> -> memref<1xf32, #tpu.memory_space<vmem>>
      tpu.enqueue_dma source(%arg6 : memref<1xf32, #tpu.memory_space<hbm>>) target(%dma_start3A_126 : memref<1xf32, #tpu.memory_space<vmem>>) target_semaphore(%run_scoped3A : memref<!tpu.dma_semaphore, #tpu.memory_space<semaphore_mem>>)
      %dma_wait3A_127 = arith.constant 16 : i32
      %dma_wait3A_128 = tpu.memref_slice %arg11[%dma_wait3A_127] : memref<24xf32, #tpu.memory_space<vmem>> -> memref<1xf32, #tpu.memory_space<vmem>>
      %dma_wait3A_129 = arith.constant 16 : i32
      %dma_wait3A_130 = tpu.memref_slice %arg11[%dma_wait3A_129] : memref<24xf32, #tpu.memory_space<vmem>> -> memref<1xf32, #tpu.memory_space<vmem>>
      tpu.wait_dma2 semaphore(%run_scoped3A : memref<!tpu.dma_semaphore, #tpu.memory_space<semaphore_mem>>) src(%arg6 : memref<1xf32, #tpu.memory_space<hbm>>) dst(%dma_wait3A_130 : memref<1xf32, #tpu.memory_space<vmem>>)
      tpu.yield
    }) : () -> ()
    %scan3A_14 = arith.constant 0 : i32
    %scan3A_15 = arith.constant 0 : i32
    %scan3A_16 = arith.constant 5 : i32
    %scan3A_17 = arith.addi %scan3A_15, %scan3A_16 : i32
    %scan3A_18 = arith.constant 1 : i32
    scf.for %scan3A_123 = %scan3A_15 to %scan3A_17 step %scan3A_18  : i32 {
      %mul3A_124 = arith.constant 512 : i32
      %mul3A_125 = arith.muli %scan3A_123, %mul3A_124 : i32
      %dma_wait3A_126 = tpu.memref_slice %arg8[%mul3A_125] : memref<13312xi32, #tpu.memory_space<vmem>> -> memref<512xi32, #tpu.memory_space<vmem>>
      %dma_wait3A_127 = tpu.memref_slice %arg3[%scan3A_123, %mul3A_2] : memref<26x16384xi32, #tpu.memory_space<hbm>> -> memref<1x512xi32, #tpu.memory_space<hbm>>
      %dma_wait3A_128 = tpu.memref_squeeze %dma_wait3A_127 : memref<1x512xi32, #tpu.memory_space<hbm>> -> memref<512xi32, #tpu.memory_space<hbm>>
      %dma_wait3A_129 = tpu.memref_slice %arg8[%mul3A_125] : memref<13312xi32, #tpu.memory_space<vmem>> -> memref<512xi32, #tpu.memory_space<vmem>>
      %dma_wait3A_130 = tpu.memref_slice %arg3[%scan3A_123, %mul3A_2] : memref<26x16384xi32, #tpu.memory_space<hbm>> -> memref<1x512xi32, #tpu.memory_space<hbm>>
      %dma_wait3A_131 = tpu.memref_squeeze %dma_wait3A_130 : memref<1x512xi32, #tpu.memory_space<hbm>> -> memref<512xi32, #tpu.memory_space<hbm>>
      tpu.wait_dma2 semaphore(%arg15 : memref<!tpu.dma_semaphore, #tpu.memory_space<semaphore_mem>>) src(%dma_wait3A_131 : memref<512xi32, #tpu.memory_space<hbm>>) dst(%dma_wait3A_129 : memref<512xi32, #tpu.memory_space<vmem>>)
    }
    %scan3A_19 = arith.constant 5 : i32
    %dma_start3A = arith.constant 0 : i32
    %dma_start3A_20 = tpu.memref_slice %arg9[%dma_start3A] : memref<13312xf32, #tpu.memory_space<vmem>> -> memref<2560xf32, #tpu.memory_space<vmem>>
    %dma_start3A_21 = arith.constant 0 : i32
    %dma_start3A_22 = tpu.memref_slice %arg8[%dma_start3A_21] : memref<13312xi32, #tpu.memory_space<vmem>> -> memref<2560xi32, #tpu.memory_space<vmem>>
    %dma_start3A_23 = arith.constant 0 : i32
    %dma_start3A_24 = tpu.memref_slice %arg4[%dma_start3A_23] : memref<1000448xf32, #tpu.memory_space<hbm>> -> memref<1000448xf32, #tpu.memory_space<hbm>>
    tpu.enqueue_indirect_dma source(%dma_start3A_24 : memref<1000448xf32, #tpu.memory_space<hbm>>) target(%dma_start3A_20 : memref<2560xf32, #tpu.memory_space<vmem>>) offsets(%dma_start3A_22 : memref<2560xi32, #tpu.memory_space<vmem>>) semaphore(%arg13 : memref<!tpu.dma_semaphore, #tpu.memory_space<semaphore_mem>>)
    %scan3A_25 = arith.constant 0 : i32
    %scan3A_26 = arith.constant 5 : i32
    %scan3A_27 = arith.constant 8 : i32
    %scan3A_28 = arith.addi %scan3A_26, %scan3A_27 : i32
    %scan3A_29 = arith.constant 1 : i32
    scf.for %scan3A_123 = %scan3A_26 to %scan3A_28 step %scan3A_29  : i32 {
      %mul3A_124 = arith.constant 512 : i32
      %mul3A_125 = arith.muli %scan3A_123, %mul3A_124 : i32
      %dma_wait3A_126 = tpu.memref_slice %arg8[%mul3A_125] : memref<13312xi32, #tpu.memory_space<vmem>> -> memref<512xi32, #tpu.memory_space<vmem>>
      %dma_wait3A_127 = tpu.memref_slice %arg3[%scan3A_123, %mul3A_2] : memref<26x16384xi32, #tpu.memory_space<hbm>> -> memref<1x512xi32, #tpu.memory_space<hbm>>
      %dma_wait3A_128 = tpu.memref_squeeze %dma_wait3A_127 : memref<1x512xi32, #tpu.memory_space<hbm>> -> memref<512xi32, #tpu.memory_space<hbm>>
      %dma_wait3A_129 = tpu.memref_slice %arg8[%mul3A_125] : memref<13312xi32, #tpu.memory_space<vmem>> -> memref<512xi32, #tpu.memory_space<vmem>>
      %dma_wait3A_130 = tpu.memref_slice %arg3[%scan3A_123, %mul3A_2] : memref<26x16384xi32, #tpu.memory_space<hbm>> -> memref<1x512xi32, #tpu.memory_space<hbm>>
      %dma_wait3A_131 = tpu.memref_squeeze %dma_wait3A_130 : memref<1x512xi32, #tpu.memory_space<hbm>> -> memref<512xi32, #tpu.memory_space<hbm>>
      tpu.wait_dma2 semaphore(%arg15 : memref<!tpu.dma_semaphore, #tpu.memory_space<semaphore_mem>>) src(%dma_wait3A_131 : memref<512xi32, #tpu.memory_space<hbm>>) dst(%dma_wait3A_129 : memref<512xi32, #tpu.memory_space<vmem>>)
    }
    %scan3A_30 = arith.constant 8 : i32
    %dma_start3A_31 = arith.constant 2560 : i32
    %dma_start3A_32 = tpu.memref_slice %arg9[%dma_start3A_31] : memref<13312xf32, #tpu.memory_space<vmem>> -> memref<4096xf32, #tpu.memory_space<vmem>>
    %dma_start3A_33 = arith.constant 2560 : i32
    %dma_start3A_34 = tpu.memref_slice %arg8[%dma_start3A_33] : memref<13312xi32, #tpu.memory_space<vmem>> -> memref<4096xi32, #tpu.memory_space<vmem>>
    %dma_start3A_35 = arith.constant 0 : i32
    %dma_start3A_36 = tpu.memref_slice %arg4[%dma_start3A_35] : memref<1000448xf32, #tpu.memory_space<hbm>> -> memref<1000448xf32, #tpu.memory_space<hbm>>
    tpu.enqueue_indirect_dma source(%dma_start3A_36 : memref<1000448xf32, #tpu.memory_space<hbm>>) target(%dma_start3A_32 : memref<4096xf32, #tpu.memory_space<vmem>>) offsets(%dma_start3A_34 : memref<4096xi32, #tpu.memory_space<vmem>>) semaphore(%arg13 : memref<!tpu.dma_semaphore, #tpu.memory_space<semaphore_mem>>)
    %scan3A_37 = arith.constant 0 : i32
    %scan3A_38 = arith.constant 13 : i32
    %scan3A_39 = arith.constant 7 : i32
    %scan3A_40 = arith.addi %scan3A_38, %scan3A_39 : i32
    %scan3A_41 = arith.constant 1 : i32
    scf.for %scan3A_123 = %scan3A_38 to %scan3A_40 step %scan3A_41  : i32 {
      %mul3A_124 = arith.constant 512 : i32
      %mul3A_125 = arith.muli %scan3A_123, %mul3A_124 : i32
      %dma_wait3A_126 = tpu.memref_slice %arg8[%mul3A_125] : memref<13312xi32, #tpu.memory_space<vmem>> -> memref<512xi32, #tpu.memory_space<vmem>>
      %dma_wait3A_127 = tpu.memref_slice %arg3[%scan3A_123, %mul3A_2] : memref<26x16384xi32, #tpu.memory_space<hbm>> -> memref<1x512xi32, #tpu.memory_space<hbm>>
      %dma_wait3A_128 = tpu.memref_squeeze %dma_wait3A_127 : memref<1x512xi32, #tpu.memory_space<hbm>> -> memref<512xi32, #tpu.memory_space<hbm>>
      %dma_wait3A_129 = tpu.memref_slice %arg8[%mul3A_125] : memref<13312xi32, #tpu.memory_space<vmem>> -> memref<512xi32, #tpu.memory_space<vmem>>
      %dma_wait3A_130 = tpu.memref_slice %arg3[%scan3A_123, %mul3A_2] : memref<26x16384xi32, #tpu.memory_space<hbm>> -> memref<1x512xi32, #tpu.memory_space<hbm>>
      %dma_wait3A_131 = tpu.memref_squeeze %dma_wait3A_130 : memref<1x512xi32, #tpu.memory_space<hbm>> -> memref<512xi32, #tpu.memory_space<hbm>>
      tpu.wait_dma2 semaphore(%arg15 : memref<!tpu.dma_semaphore, #tpu.memory_space<semaphore_mem>>) src(%dma_wait3A_131 : memref<512xi32, #tpu.memory_space<hbm>>) dst(%dma_wait3A_129 : memref<512xi32, #tpu.memory_space<vmem>>)
    }
    %scan3A_42 = arith.constant 7 : i32
    %dma_start3A_43 = arith.constant 6656 : i32
    %dma_start3A_44 = tpu.memref_slice %arg9[%dma_start3A_43] : memref<13312xf32, #tpu.memory_space<vmem>> -> memref<3584xf32, #tpu.memory_space<vmem>>
    %dma_start3A_45 = arith.constant 6656 : i32
    %dma_start3A_46 = tpu.memref_slice %arg8[%dma_start3A_45] : memref<13312xi32, #tpu.memory_space<vmem>> -> memref<3584xi32, #tpu.memory_space<vmem>>
    %dma_start3A_47 = arith.constant 0 : i32
    %dma_start3A_48 = tpu.memref_slice %arg4[%dma_start3A_47] : memref<1000448xf32, #tpu.memory_space<hbm>> -> memref<1000448xf32, #tpu.memory_space<hbm>>
    tpu.enqueue_indirect_dma source(%dma_start3A_48 : memref<1000448xf32, #tpu.memory_space<hbm>>) target(%dma_start3A_44 : memref<3584xf32, #tpu.memory_space<vmem>>) offsets(%dma_start3A_46 : memref<3584xi32, #tpu.memory_space<vmem>>) semaphore(%arg13 : memref<!tpu.dma_semaphore, #tpu.memory_space<semaphore_mem>>)
    %scan3A_49 = arith.constant 0 : i32
    %scan3A_50 = arith.constant 20 : i32
    %scan3A_51 = arith.constant 6 : i32
    %scan3A_52 = arith.addi %scan3A_50, %scan3A_51 : i32
    %scan3A_53 = arith.constant 1 : i32
    scf.for %scan3A_123 = %scan3A_50 to %scan3A_52 step %scan3A_53  : i32 {
      %mul3A_124 = arith.constant 512 : i32
      %mul3A_125 = arith.muli %scan3A_123, %mul3A_124 : i32
      %dma_wait3A_126 = tpu.memref_slice %arg8[%mul3A_125] : memref<13312xi32, #tpu.memory_space<vmem>> -> memref<512xi32, #tpu.memory_space<vmem>>
      %dma_wait3A_127 = tpu.memref_slice %arg3[%scan3A_123, %mul3A_2] : memref<26x16384xi32, #tpu.memory_space<hbm>> -> memref<1x512xi32, #tpu.memory_space<hbm>>
      %dma_wait3A_128 = tpu.memref_squeeze %dma_wait3A_127 : memref<1x512xi32, #tpu.memory_space<hbm>> -> memref<512xi32, #tpu.memory_space<hbm>>
      %dma_wait3A_129 = tpu.memref_slice %arg8[%mul3A_125] : memref<13312xi32, #tpu.memory_space<vmem>> -> memref<512xi32, #tpu.memory_space<vmem>>
      %dma_wait3A_130 = tpu.memref_slice %arg3[%scan3A_123, %mul3A_2] : memref<26x16384xi32, #tpu.memory_space<hbm>> -> memref<1x512xi32, #tpu.memory_space<hbm>>
      %dma_wait3A_131 = tpu.memref_squeeze %dma_wait3A_130 : memref<1x512xi32, #tpu.memory_space<hbm>> -> memref<512xi32, #tpu.memory_space<hbm>>
      tpu.wait_dma2 semaphore(%arg15 : memref<!tpu.dma_semaphore, #tpu.memory_space<semaphore_mem>>) src(%dma_wait3A_131 : memref<512xi32, #tpu.memory_space<hbm>>) dst(%dma_wait3A_129 : memref<512xi32, #tpu.memory_space<vmem>>)
    }
    %scan3A_54 = arith.constant 6 : i32
    %dma_start3A_55 = arith.constant 10240 : i32
    %dma_start3A_56 = tpu.memref_slice %arg9[%dma_start3A_55] : memref<13312xf32, #tpu.memory_space<vmem>> -> memref<3072xf32, #tpu.memory_space<vmem>>
    %dma_start3A_57 = arith.constant 10240 : i32
    %dma_start3A_58 = tpu.memref_slice %arg8[%dma_start3A_57] : memref<13312xi32, #tpu.memory_space<vmem>> -> memref<3072xi32, #tpu.memory_space<vmem>>
    %dma_start3A_59 = arith.constant 0 : i32
    %dma_start3A_60 = tpu.memref_slice %arg4[%dma_start3A_59] : memref<1000448xf32, #tpu.memory_space<hbm>> -> memref<1000448xf32, #tpu.memory_space<hbm>>
    tpu.enqueue_indirect_dma source(%dma_start3A_60 : memref<1000448xf32, #tpu.memory_space<hbm>>) target(%dma_start3A_56 : memref<3072xf32, #tpu.memory_space<vmem>>) offsets(%dma_start3A_58 : memref<3072xi32, #tpu.memory_space<vmem>>) semaphore(%arg13 : memref<!tpu.dma_semaphore, #tpu.memory_space<semaphore_mem>>)
    %scan3A_61 = arith.constant 0 : i32
    %scan3A_62 = arith.constant 0 : i32
    %scan3A_63 = arith.constant 13 : i32
    %scan3A_64 = arith.addi %scan3A_62, %scan3A_63 : i32
    %scan3A_65 = arith.constant 1 : i32
    scf.for %scan3A_123 = %scan3A_62 to %scan3A_64 step %scan3A_65  : i32 {
      %mul3A_124 = arith.constant 512 : i32
      %mul3A_125 = arith.muli %scan3A_123, %mul3A_124 : i32
      %dma_wait3A_126 = tpu.memref_slice %arg10[%mul3A_125] : memref<6656xf32, #tpu.memory_space<vmem>> -> memref<512xf32, #tpu.memory_space<vmem>>
      %dma_wait3A_127 = tpu.memref_slice %arg2[%scan3A_123, %mul3A_2] : memref<13x16384xf32, #tpu.memory_space<hbm>> -> memref<1x512xf32, #tpu.memory_space<hbm>>
      %dma_wait3A_128 = tpu.memref_squeeze %dma_wait3A_127 : memref<1x512xf32, #tpu.memory_space<hbm>> -> memref<512xf32, #tpu.memory_space<hbm>>
      %dma_wait3A_129 = tpu.memref_slice %arg10[%mul3A_125] : memref<6656xf32, #tpu.memory_space<vmem>> -> memref<512xf32, #tpu.memory_space<vmem>>
      %dma_wait3A_130 = tpu.memref_slice %arg2[%scan3A_123, %mul3A_2] : memref<13x16384xf32, #tpu.memory_space<hbm>> -> memref<1x512xf32, #tpu.memory_space<hbm>>
      %dma_wait3A_131 = tpu.memref_squeeze %dma_wait3A_130 : memref<1x512xf32, #tpu.memory_space<hbm>> -> memref<512xf32, #tpu.memory_space<hbm>>
      tpu.wait_dma2 semaphore(%arg14 : memref<!tpu.dma_semaphore, #tpu.memory_space<semaphore_mem>>) src(%dma_wait3A_131 : memref<512xf32, #tpu.memory_space<hbm>>) dst(%dma_wait3A_129 : memref<512xf32, #tpu.memory_space<vmem>>)
    }
    %scan3A_66 = arith.constant 13 : i32
    %get3A = arith.constant 0 : index
    %get3A_67 = tpu.vector_load %arg11[%get3A] {strides = array<i32>} : memref<24xf32, #tpu.memory_space<vmem>>, vector<16xf32>,
    %get3A_68 = arith.constant 8 : index
    %get3A_69 = tpu.vector_load %arg11[%get3A_68] {strides = array<i32>} : memref<24xf32, #tpu.memory_space<vmem>>, vector<16xf32>,
    %scan3A_70 = arith.constant 0 : i32
    %scan3A_71 = arith.constant 0 : i32
    %scan3A_72 = arith.constant 32 : i32
    %scan3A_73 = arith.addi %scan3A_71, %scan3A_72 : i32
    %scan3A_74 = arith.constant 1 : i32
    scf.for %scan3A_123 = %scan3A_71 to %scan3A_73 step %scan3A_74  : i32 {
      %mul3A_124 = arith.constant 16 : i32
      %mul3A_125 = arith.muli %scan3A_123, %mul3A_124 : i32
      %slice3A = vector.extract_strided_slice %get3A_69 {offsets = [8], sizes = [1], strides = [1]} : vector<16xf32> to vector<1xf32>
      %squeeze3A = vector.extract %slice3A[0] : f32 from vector<1xf32>
      %broadcast_in_dim3A = vector.broadcast %squeeze3A : f32 to vector<16xf32>
      %add3A_126 = arith.constant 0 : i32
      %add3A_127 = arith.addi %add3A_126, %mul3A_125 : i32
      %get3A_128 = arith.index_cast %add3A_127 : i32 to index
      %get3A_129 = tpu.vector_load %arg10[%get3A_128] {strides = array<i32>} : memref<6656xf32, #tpu.memory_space<vmem>>, vector<16xf32>,
      %slice3A_130 = vector.extract_strided_slice %get3A_67 {offsets = [0], sizes = [1], strides = [1]} : vector<16xf32> to vector<1xf32>
      %squeeze3A_131 = vector.extract %slice3A_130[0] : f32 from vector<1xf32>
      %mul3A_132 = vector.broadcast %squeeze3A_131 : f32 to vector<16xf32>
      %mul3A_133 = arith.mulf %get3A_129, %mul3A_132 : vector<16xf32>
      %add3A_134 = arith.addf %broadcast_in_dim3A, %mul3A_133 : vector<16xf32>
      %add3A_135 = arith.constant 512 : i32
      %add3A_136 = arith.addi %add3A_135, %mul3A_125 : i32
      %get3A_137 = arith.index_cast %add3A_136 : i32 to index
      %get3A_138 = tpu.vector_load %arg10[%get3A_137] {strides = array<i32>} : memref<6656xf32, #tpu.memory_space<vmem>>, vector<16xf32>,
      %slice3A_139 = vector.extract_strided_slice %get3A_67 {offsets = [1], sizes = [1], strides = [1]} : vector<16xf32> to vector<1xf32>
      %squeeze3A_140 = vector.extract %slice3A_139[0] : f32 from vector<1xf32>
      %mul3A_141 = vector.broadcast %squeeze3A_140 : f32 to vector<16xf32>
      %mul3A_142 = arith.mulf %get3A_138, %mul3A_141 : vector<16xf32>
      %add3A_143 = arith.addf %add3A_134, %mul3A_142 : vector<16xf32>
      %add3A_144 = arith.constant 1024 : i32
      %add3A_145 = arith.addi %add3A_144, %mul3A_125 : i32
      %get3A_146 = arith.index_cast %add3A_145 : i32 to index
      %get3A_147 = tpu.vector_load %arg10[%get3A_146] {strides = array<i32>} : memref<6656xf32, #tpu.memory_space<vmem>>, vector<16xf32>,
      %slice3A_148 = vector.extract_strided_slice %get3A_67 {offsets = [2], sizes = [1], strides = [1]} : vector<16xf32> to vector<1xf32>
      %squeeze3A_149 = vector.extract %slice3A_148[0] : f32 from vector<1xf32>
      %mul3A_150 = vector.broadcast %squeeze3A_149 : f32 to vector<16xf32>
      %mul3A_151 = arith.mulf %get3A_147, %mul3A_150 : vector<16xf32>
      %add3A_152 = arith.addf %add3A_143, %mul3A_151 : vector<16xf32>
      %add3A_153 = arith.constant 1536 : i32
      %add3A_154 = arith.addi %add3A_153, %mul3A_125 : i32
      %get3A_155 = arith.index_cast %add3A_154 : i32 to index
      %get3A_156 = tpu.vector_load %arg10[%get3A_155] {strides = array<i32>} : memref<6656xf32, #tpu.memory_space<vmem>>, vector<16xf32>,
      %slice3A_157 = vector.extract_strided_slice %get3A_67 {offsets = [3], sizes = [1], strides = [1]} : vector<16xf32> to vector<1xf32>
      %squeeze3A_158 = vector.extract %slice3A_157[0] : f32 from vector<1xf32>
      %mul3A_159 = vector.broadcast %squeeze3A_158 : f32 to vector<16xf32>
      %mul3A_160 = arith.mulf %get3A_156, %mul3A_159 : vector<16xf32>
      %add3A_161 = arith.addf %add3A_152, %mul3A_160 : vector<16xf32>
      %add3A_162 = arith.constant 2048 : i32
      %add3A_163 = arith.addi %add3A_162, %mul3A_125 : i32
      %get3A_164 = arith.index_cast %add3A_163 : i32 to index
      %get3A_165 = tpu.vector_load %arg10[%get3A_164] {strides = array<i32>} : memref<6656xf32, #tpu.memory_space<vmem>>, vector<16xf32>,
      %slice3A_166 = vector.extract_strided_slice %get3A_67 {offsets = [4], sizes = [1], strides = [1]} : vector<16xf32> to vector<1xf32>
      %squeeze3A_167 = vector.extract %slice3A_166[0] : f32 from vector<1xf32>
      %mul3A_168 = vector.broadcast %squeeze3A_167 : f32 to vector<16xf32>
      %mul3A_169 = arith.mulf %get3A_165, %mul3A_168 : vector<16xf32>
      %add3A_170 = arith.addf %add3A_161, %mul3A_169 : vector<16xf32>
      %add3A_171 = arith.constant 2560 : i32
      %add3A_172 = arith.addi %add3A_171, %mul3A_125 : i32
      %get3A_173 = arith.index_cast %add3A_172 : i32 to index
      %get3A_174 = tpu.vector_load %arg10[%get3A_173] {strides = array<i32>} : memref<6656xf32, #tpu.memory_space<vmem>>, vector<16xf32>,
      %slice3A_175 = vector.extract_strided_slice %get3A_67 {offsets = [5], sizes = [1], strides = [1]} : vector<16xf32> to vector<1xf32>
      %squeeze3A_176 = vector.extract %slice3A_175[0] : f32 from vector<1xf32>
      %mul3A_177 = vector.broadcast %squeeze3A_176 : f32 to vector<16xf32>
      %mul3A_178 = arith.mulf %get3A_174, %mul3A_177 : vector<16xf32>
      %add3A_179 = arith.addf %add3A_170, %mul3A_178 : vector<16xf32>
      %add3A_180 = arith.constant 3072 : i32
      %add3A_181 = arith.addi %add3A_180, %mul3A_125 : i32
      %get3A_182 = arith.index_cast %add3A_181 : i32 to index
      %get3A_183 = tpu.vector_load %arg10[%get3A_182] {strides = array<i32>} : memref<6656xf32, #tpu.memory_space<vmem>>, vector<16xf32>,
      %slice3A_184 = vector.extract_strided_slice %get3A_67 {offsets = [6], sizes = [1], strides = [1]} : vector<16xf32> to vector<1xf32>
      %squeeze3A_185 = vector.extract %slice3A_184[0] : f32 from vector<1xf32>
      %mul3A_186 = vector.broadcast %squeeze3A_185 : f32 to vector<16xf32>
      %mul3A_187 = arith.mulf %get3A_183, %mul3A_186 : vector<16xf32>
      %add3A_188 = arith.addf %add3A_179, %mul3A_187 : vector<16xf32>
      %add3A_189 = arith.constant 3584 : i32
      %add3A_190 = arith.addi %add3A_189, %mul3A_125 : i32
      %get3A_191 = arith.index_cast %add3A_190 : i32 to index
      %get3A_192 = tpu.vector_load %arg10[%get3A_191] {strides = array<i32>} : memref<6656xf32, #tpu.memory_space<vmem>>, vector<16xf32>,
      %slice3A_193 = vector.extract_strided_slice %get3A_67 {offsets = [7], sizes = [1], strides = [1]} : vector<16xf32> to vector<1xf32>
      %squeeze3A_194 = vector.extract %slice3A_193[0] : f32 from vector<1xf32>
      %mul3A_195 = vector.broadcast %squeeze3A_194 : f32 to vector<16xf32>
      %mul3A_196 = arith.mulf %get3A_192, %mul3A_195 : vector<16xf32>
      %add3A_197 = arith.addf %add3A_188, %mul3A_196 : vector<16xf32>
      %add3A_198 = arith.constant 4096 : i32
      %add3A_199 = arith.addi %add3A_198, %mul3A_125 : i32
      %get3A_200 = arith.index_cast %add3A_199 : i32 to index
      %get3A_201 = tpu.vector_load %arg10[%get3A_200] {strides = array<i32>} : memref<6656xf32, #tpu.memory_space<vmem>>, vector<16xf32>,
      %slice3A_202 = vector.extract_strided_slice %get3A_67 {offsets = [8], sizes = [1], strides = [1]} : vector<16xf32> to vector<1xf32>
      %squeeze3A_203 = vector.extract %slice3A_202[0] : f32 from vector<1xf32>
      %mul3A_204 = vector.broadcast %squeeze3A_203 : f32 to vector<16xf32>
      %mul3A_205 = arith.mulf %get3A_201, %mul3A_204 : vector<16xf32>
      %add3A_206 = arith.addf %add3A_197, %mul3A_205 : vector<16xf32>
      %add3A_207 = arith.constant 4608 : i32
      %add3A_208 = arith.addi %add3A_207, %mul3A_125 : i32
      %get3A_209 = arith.index_cast %add3A_208 : i32 to index
      %get3A_210 = tpu.vector_load %arg10[%get3A_209] {strides = array<i32>} : memref<6656xf32, #tpu.memory_space<vmem>>, vector<16xf32>,
      %slice3A_211 = vector.extract_strided_slice %get3A_67 {offsets = [9], sizes = [1], strides = [1]} : vector<16xf32> to vector<1xf32>
      %squeeze3A_212 = vector.extract %slice3A_211[0] : f32 from vector<1xf32>
      %mul3A_213 = vector.broadcast %squeeze3A_212 : f32 to vector<16xf32>
      %mul3A_214 = arith.mulf %get3A_210, %mul3A_213 : vector<16xf32>
      %add3A_215 = arith.addf %add3A_206, %mul3A_214 : vector<16xf32>
      %add3A_216 = arith.constant 5120 : i32
      %add3A_217 = arith.addi %add3A_216, %mul3A_125 : i32
      %get3A_218 = arith.index_cast %add3A_217 : i32 to index
      %get3A_219 = tpu.vector_load %arg10[%get3A_218] {strides = array<i32>} : memref<6656xf32, #tpu.memory_space<vmem>>, vector<16xf32>,
      %slice3A_220 = vector.extract_strided_slice %get3A_67 {offsets = [10], sizes = [1], strides = [1]} : vector<16xf32> to vector<1xf32>
      %squeeze3A_221 = vector.extract %slice3A_220[0] : f32 from vector<1xf32>
      %mul3A_222 = vector.broadcast %squeeze3A_221 : f32 to vector<16xf32>
      %mul3A_223 = arith.mulf %get3A_219, %mul3A_222 : vector<16xf32>
      %add3A_224 = arith.addf %add3A_215, %mul3A_223 : vector<16xf32>
      %add3A_225 = arith.constant 5632 : i32
      %add3A_226 = arith.addi %add3A_225, %mul3A_125 : i32
      %get3A_227 = arith.index_cast %add3A_226 : i32 to index
      %get3A_228 = tpu.vector_load %arg10[%get3A_227] {strides = array<i32>} : memref<6656xf32, #tpu.memory_space<vmem>>, vector<16xf32>,
      %slice3A_229 = vector.extract_strided_slice %get3A_67 {offsets = [11], sizes = [1], strides = [1]} : vector<16xf32> to vector<1xf32>
      %squeeze3A_230 = vector.extract %slice3A_229[0] : f32 from vector<1xf32>
      %mul3A_231 = vector.broadcast %squeeze3A_230 : f32 to vector<16xf32>
      %mul3A_232 = arith.mulf %get3A_228, %mul3A_231 : vector<16xf32>
      %add3A_233 = arith.addf %add3A_224, %mul3A_232 : vector<16xf32>
      %add3A_234 = arith.constant 6144 : i32
      %add3A_235 = arith.addi %add3A_234, %mul3A_125 : i32
      %get3A_236 = arith.index_cast %add3A_235 : i32 to index
      %get3A_237 = tpu.vector_load %arg10[%get3A_236] {strides = array<i32>} : memref<6656xf32, #tpu.memory_space<vmem>>, vector<16xf32>,
      %slice3A_238 = vector.extract_strided_slice %get3A_67 {offsets = [12], sizes = [1], strides = [1]} : vector<16xf32> to vector<1xf32>
      %squeeze3A_239 = vector.extract %slice3A_238[0] : f32 from vector<1xf32>
      %mul3A_240 = vector.broadcast %squeeze3A_239 : f32 to vector<16xf32>
      %mul3A_241 = arith.mulf %get3A_237, %mul3A_240 : vector<16xf32>
      %add3A_242 = arith.addf %add3A_233, %mul3A_241 : vector<16xf32>
      %swap3A = arith.index_cast %mul3A_125 : i32 to index
      %swap3A_243 = tpu.vector_load %arg12[%swap3A] {strides = array<i32>} : memref<512xf32, #tpu.memory_space<vmem>>, vector<16xf32>,
      tpu.vector_store %arg12[%swap3A], %add3A_242 {strides = array<i32>} : memref<512xf32, #tpu.memory_space<vmem>>, vector<16xf32>,
    }
    %scan3A_75 = arith.constant 32 : i32
    %dma_wait3A = arith.constant 0 : i32
    %dma_wait3A_76 = tpu.memref_slice %arg9[%dma_wait3A] : memref<13312xf32, #tpu.memory_space<vmem>> -> memref<2560xf32, #tpu.memory_space<vmem>>
    %dma_wait3A_77 = arith.constant 0 : i32
    %dma_wait3A_78 = tpu.memref_slice %arg8[%dma_wait3A_77] : memref<13312xi32, #tpu.memory_space<vmem>> -> memref<2560xi32, #tpu.memory_space<vmem>>
    %dma_wait3A_79 = arith.constant 0 : i32
    %dma_wait3A_80 = tpu.memref_slice %arg4[%dma_wait3A_79] : memref<1000448xf32, #tpu.memory_space<hbm>> -> memref<1000448xf32, #tpu.memory_space<hbm>>
    tpu.wait_indirect_dma semaphore(%arg13 : memref<!tpu.dma_semaphore, #tpu.memory_space<semaphore_mem>>) src(%dma_wait3A_80 : memref<1000448xf32, #tpu.memory_space<hbm>>) dst(%dma_wait3A_76 : memref<2560xf32, #tpu.memory_space<vmem>>)
    %scan3A_81 = arith.constant 0 : i32
    %scan3A_82 = arith.constant 0 : i32
    %scan3A_83 = arith.constant 32 : i32
    %scan3A_84 = arith.addi %scan3A_82, %scan3A_83 : i32
    %scan3A_85 = arith.constant 4 : i32
    scf.for %scan3A_123 = %scan3A_82 to %scan3A_84 step %scan3A_85  : i32 {
      %mul3A_124 = arith.constant 16 : i32
      %mul3A_125 = arith.muli %scan3A_123, %mul3A_124 : i32
      %get3A_126 = arith.index_cast %mul3A_125 : i32 to index
      %get3A_127 = tpu.vector_load %arg12[%get3A_126] {strides = array<i32>} : memref<512xf32, #tpu.memory_space<vmem>>, vector<16xf32>,
      %add3A_128 = arith.constant 0 : i32
      %add3A_129 = arith.addi %add3A_128, %mul3A_125 : i32
      %get3A_130 = arith.index_cast %add3A_129 : i32 to index
      %get3A_131 = tpu.vector_load %arg9[%get3A_130] {strides = array<i32>} : memref<13312xf32, #tpu.memory_space<vmem>>, vector<16xf32>,
      %add3A_132 = arith.addf %get3A_127, %get3A_131 : vector<16xf32>
      %add3A_133 = arith.constant 512 : i32
      %add3A_134 = arith.addi %add3A_133, %mul3A_125 : i32
      %get3A_135 = arith.index_cast %add3A_134 : i32 to index
      %get3A_136 = tpu.vector_load %arg9[%get3A_135] {strides = array<i32>} : memref<13312xf32, #tpu.memory_space<vmem>>, vector<16xf32>,
      %add3A_137 = arith.addf %add3A_132, %get3A_136 : vector<16xf32>
      %add3A_138 = arith.constant 1024 : i32
      %add3A_139 = arith.addi %add3A_138, %mul3A_125 : i32
      %get3A_140 = arith.index_cast %add3A_139 : i32 to index
      %get3A_141 = tpu.vector_load %arg9[%get3A_140] {strides = array<i32>} : memref<13312xf32, #tpu.memory_space<vmem>>, vector<16xf32>,
      %add3A_142 = arith.addf %add3A_137, %get3A_141 : vector<16xf32>
      %add3A_143 = arith.constant 1536 : i32
      %add3A_144 = arith.addi %add3A_143, %mul3A_125 : i32
      %get3A_145 = arith.index_cast %add3A_144 : i32 to index
      %get3A_146 = tpu.vector_load %arg9[%get3A_145] {strides = array<i32>} : memref<13312xf32, #tpu.memory_space<vmem>>, vector<16xf32>,
      %add3A_147 = arith.addf %add3A_142, %get3A_146 : vector<16xf32>
      %add3A_148 = arith.constant 2048 : i32
      %add3A_149 = arith.addi %add3A_148, %mul3A_125 : i32
      %get3A_150 = arith.index_cast %add3A_149 : i32 to index
      %get3A_151 = tpu.vector_load %arg9[%get3A_150] {strides = array<i32>} : memref<13312xf32, #tpu.memory_space<vmem>>, vector<16xf32>,
      %add3A_152 = arith.addf %add3A_147, %get3A_151 : vector<16xf32>
      %swap3A = arith.index_cast %mul3A_125 : i32 to index
      %swap3A_153 = tpu.vector_load %arg12[%swap3A] {strides = array<i32>} : memref<512xf32, #tpu.memory_space<vmem>>, vector<16xf32>,
      tpu.vector_store %arg12[%swap3A], %add3A_152 {strides = array<i32>} : memref<512xf32, #tpu.memory_space<vmem>>, vector<16xf32>,
      %scan3A_154 = arith.constant 1 : i32
      %scan3A_155 = arith.addi %scan3A_123, %scan3A_154 : i32
      %mul3A_156 = arith.constant 16 : i32
      %mul3A_157 = arith.muli %scan3A_155, %mul3A_156 : i32
      %get3A_158 = arith.index_cast %mul3A_157 : i32 to index
      %get3A_159 = tpu.vector_load %arg12[%get3A_158] {strides = array<i32>} : memref<512xf32, #tpu.memory_space<vmem>>, vector<16xf32>,
      %add3A_160 = arith.constant 0 : i32
      %add3A_161 = arith.addi %add3A_160, %mul3A_157 : i32
      %get3A_162 = arith.index_cast %add3A_161 : i32 to index
      %get3A_163 = tpu.vector_load %arg9[%get3A_162] {strides = array<i32>} : memref<13312xf32, #tpu.memory_space<vmem>>, vector<16xf32>,
      %add3A_164 = arith.addf %get3A_159, %get3A_163 : vector<16xf32>
      %add3A_165 = arith.constant 512 : i32
      %add3A_166 = arith.addi %add3A_165, %mul3A_157 : i32
      %get3A_167 = arith.index_cast %add3A_166 : i32 to index
      %get3A_168 = tpu.vector_load %arg9[%get3A_167] {strides = array<i32>} : memref<13312xf32, #tpu.memory_space<vmem>>, vector<16xf32>,
      %add3A_169 = arith.addf %add3A_164, %get3A_168 : vector<16xf32>
      %add3A_170 = arith.constant 1024 : i32
      %add3A_171 = arith.addi %add3A_170, %mul3A_157 : i32
      %get3A_172 = arith.index_cast %add3A_171 : i32 to index
      %get3A_173 = tpu.vector_load %arg9[%get3A_172] {strides = array<i32>} : memref<13312xf32, #tpu.memory_space<vmem>>, vector<16xf32>,
      %add3A_174 = arith.addf %add3A_169, %get3A_173 : vector<16xf32>
      %add3A_175 = arith.constant 1536 : i32
      %add3A_176 = arith.addi %add3A_175, %mul3A_157 : i32
      %get3A_177 = arith.index_cast %add3A_176 : i32 to index
      %get3A_178 = tpu.vector_load %arg9[%get3A_177] {strides = array<i32>} : memref<13312xf32, #tpu.memory_space<vmem>>, vector<16xf32>,
      %add3A_179 = arith.addf %add3A_174, %get3A_178 : vector<16xf32>
      %add3A_180 = arith.constant 2048 : i32
      %add3A_181 = arith.addi %add3A_180, %mul3A_157 : i32
      %get3A_182 = arith.index_cast %add3A_181 : i32 to index
      %get3A_183 = tpu.vector_load %arg9[%get3A_182] {strides = array<i32>} : memref<13312xf32, #tpu.memory_space<vmem>>, vector<16xf32>,
      %add3A_184 = arith.addf %add3A_179, %get3A_183 : vector<16xf32>
      %swap3A_185 = arith.index_cast %mul3A_157 : i32 to index
      %swap3A_186 = tpu.vector_load %arg12[%swap3A_185] {strides = array<i32>} : memref<512xf32, #tpu.memory_space<vmem>>, vector<16xf32>,
      tpu.vector_store %arg12[%swap3A_185], %add3A_184 {strides = array<i32>} : memref<512xf32, #tpu.memory_space<vmem>>, vector<16xf32>,
      %scan3A_187 = arith.constant 2 : i32
      %scan3A_188 = arith.addi %scan3A_123, %scan3A_187 : i32
      %mul3A_189 = arith.constant 16 : i32
      %mul3A_190 = arith.muli %scan3A_188, %mul3A_189 : i32
      %get3A_191 = arith.index_cast %mul3A_190 : i32 to index
      %get3A_192 = tpu.vector_load %arg12[%get3A_191] {strides = array<i32>} : memref<512xf32, #tpu.memory_space<vmem>>, vector<16xf32>,
      %add3A_193 = arith.constant 0 : i32
      %add3A_194 = arith.addi %add3A_193, %mul3A_190 : i32
      %get3A_195 = arith.index_cast %add3A_194 : i32 to index
      %get3A_196 = tpu.vector_load %arg9[%get3A_195] {strides = array<i32>} : memref<13312xf32, #tpu.memory_space<vmem>>, vector<16xf32>,
      %add3A_197 = arith.addf %get3A_192, %get3A_196 : vector<16xf32>
      %add3A_198 = arith.constant 512 : i32
      %add3A_199 = arith.addi %add3A_198, %mul3A_190 : i32
      %get3A_200 = arith.index_cast %add3A_199 : i32 to index
      %get3A_201 = tpu.vector_load %arg9[%get3A_200] {strides = array<i32>} : memref<13312xf32, #tpu.memory_space<vmem>>, vector<16xf32>,
      %add3A_202 = arith.addf %add3A_197, %get3A_201 : vector<16xf32>
      %add3A_203 = arith.constant 1024 : i32
      %add3A_204 = arith.addi %add3A_203, %mul3A_190 : i32
      %get3A_205 = arith.index_cast %add3A_204 : i32 to index
      %get3A_206 = tpu.vector_load %arg9[%get3A_205] {strides = array<i32>} : memref<13312xf32, #tpu.memory_space<vmem>>, vector<16xf32>,
      %add3A_207 = arith.addf %add3A_202, %get3A_206 : vector<16xf32>
      %add3A_208 = arith.constant 1536 : i32
      %add3A_209 = arith.addi %add3A_208, %mul3A_190 : i32
      %get3A_210 = arith.index_cast %add3A_209 : i32 to index
      %get3A_211 = tpu.vector_load %arg9[%get3A_210] {strides = array<i32>} : memref<13312xf32, #tpu.memory_space<vmem>>, vector<16xf32>,
      %add3A_212 = arith.addf %add3A_207, %get3A_211 : vector<16xf32>
      %add3A_213 = arith.constant 2048 : i32
      %add3A_214 = arith.addi %add3A_213, %mul3A_190 : i32
      %get3A_215 = arith.index_cast %add3A_214 : i32 to index
      %get3A_216 = tpu.vector_load %arg9[%get3A_215] {strides = array<i32>} : memref<13312xf32, #tpu.memory_space<vmem>>, vector<16xf32>,
      %add3A_217 = arith.addf %add3A_212, %get3A_216 : vector<16xf32>
      %swap3A_218 = arith.index_cast %mul3A_190 : i32 to index
      %swap3A_219 = tpu.vector_load %arg12[%swap3A_218] {strides = array<i32>} : memref<512xf32, #tpu.memory_space<vmem>>, vector<16xf32>,
      tpu.vector_store %arg12[%swap3A_218], %add3A_217 {strides = array<i32>} : memref<512xf32, #tpu.memory_space<vmem>>, vector<16xf32>,
      %scan3A_220 = arith.constant 3 : i32
      %scan3A_221 = arith.addi %scan3A_123, %scan3A_220 : i32
      %mul3A_222 = arith.constant 16 : i32
      %mul3A_223 = arith.muli %scan3A_221, %mul3A_222 : i32
      %get3A_224 = arith.index_cast %mul3A_223 : i32 to index
      %get3A_225 = tpu.vector_load %arg12[%get3A_224] {strides = array<i32>} : memref<512xf32, #tpu.memory_space<vmem>>, vector<16xf32>,
      %add3A_226 = arith.constant 0 : i32
      %add3A_227 = arith.addi %add3A_226, %mul3A_223 : i32
      %get3A_228 = arith.index_cast %add3A_227 : i32 to index
      %get3A_229 = tpu.vector_load %arg9[%get3A_228] {strides = array<i32>} : memref<13312xf32, #tpu.memory_space<vmem>>, vector<16xf32>,
      %add3A_230 = arith.addf %get3A_225, %get3A_229 : vector<16xf32>
      %add3A_231 = arith.constant 512 : i32
      %add3A_232 = arith.addi %add3A_231, %mul3A_223 : i32
      %get3A_233 = arith.index_cast %add3A_232 : i32 to index
      %get3A_234 = tpu.vector_load %arg9[%get3A_233] {strides = array<i32>} : memref<13312xf32, #tpu.memory_space<vmem>>, vector<16xf32>,
      %add3A_235 = arith.addf %add3A_230, %get3A_234 : vector<16xf32>
      %add3A_236 = arith.constant 1024 : i32
      %add3A_237 = arith.addi %add3A_236, %mul3A_223 : i32
      %get3A_238 = arith.index_cast %add3A_237 : i32 to index
      %get3A_239 = tpu.vector_load %arg9[%get3A_238] {strides = array<i32>} : memref<13312xf32, #tpu.memory_space<vmem>>, vector<16xf32>,
      %add3A_240 = arith.addf %add3A_235, %get3A_239 : vector<16xf32>
      %add3A_241 = arith.constant 1536 : i32
      %add3A_242 = arith.addi %add3A_241, %mul3A_223 : i32
      %get3A_243 = arith.index_cast %add3A_242 : i32 to index
      %get3A_244 = tpu.vector_load %arg9[%get3A_243] {strides = array<i32>} : memref<13312xf32, #tpu.memory_space<vmem>>, vector<16xf32>,
      %add3A_245 = arith.addf %add3A_240, %get3A_244 : vector<16xf32>
      %add3A_246 = arith.constant 2048 : i32
      %add3A_247 = arith.addi %add3A_246, %mul3A_223 : i32
      %get3A_248 = arith.index_cast %add3A_247 : i32 to index
      %get3A_249 = tpu.vector_load %arg9[%get3A_248] {strides = array<i32>} : memref<13312xf32, #tpu.memory_space<vmem>>, vector<16xf32>,
      %add3A_250 = arith.addf %add3A_245, %get3A_249 : vector<16xf32>
      %swap3A_251 = arith.index_cast %mul3A_223 : i32 to index
      %swap3A_252 = tpu.vector_load %arg12[%swap3A_251] {strides = array<i32>} : memref<512xf32, #tpu.memory_space<vmem>>, vector<16xf32>,
      tpu.vector_store %arg12[%swap3A_251], %add3A_250 {strides = array<i32>} : memref<512xf32, #tpu.memory_space<vmem>>, vector<16xf32>,
    }
    %scan3A_86 = arith.constant 32 : i32
    %dma_wait3A_87 = arith.constant 2560 : i32
    %dma_wait3A_88 = tpu.memref_slice %arg9[%dma_wait3A_87] : memref<13312xf32, #tpu.memory_space<vmem>> -> memref<4096xf32, #tpu.memory_space<vmem>>
    %dma_wait3A_89 = arith.constant 2560 : i32
    %dma_wait3A_90 = tpu.memref_slice %arg8[%dma_wait3A_89] : memref<13312xi32, #tpu.memory_space<vmem>> -> memref<4096xi32, #tpu.memory_space<vmem>>
    %dma_wait3A_91 = arith.constant 0 : i32
    %dma_wait3A_92 = tpu.memref_slice %arg4[%dma_wait3A_91] : memref<1000448xf32, #tpu.memory_space<hbm>> -> memref<1000448xf32, #tpu.memory_space<hbm>>
    tpu.wait_indirect_dma semaphore(%arg13 : memref<!tpu.dma_semaphore, #tpu.memory_space<semaphore_mem>>) src(%dma_wait3A_92 : memref<1000448xf32, #tpu.memory_space<hbm>>) dst(%dma_wait3A_88 : memref<4096xf32, #tpu.memory_space<vmem>>)
    %scan3A_93 = arith.constant 0 : i32
    %scan3A_94 = arith.constant 0 : i32
    %scan3A_95 = arith.constant 32 : i32
    %scan3A_96 = arith.addi %scan3A_94, %scan3A_95 : i32
    %scan3A_97 = arith.constant 4 : i32
    scf.for %scan3A_123 = %scan3A_94 to %scan3A_96 step %scan3A_97  : i32 {
      %mul3A_124 = arith.constant 16 : i32
      %mul3A_125 = arith.muli %scan3A_123, %mul3A_124 : i32
      %get3A_126 = arith.index_cast %mul3A_125 : i32 to index
      %get3A_127 = tpu.vector_load %arg12[%get3A_126] {strides = array<i32>} : memref<512xf32, #tpu.memory_space<vmem>>, vector<16xf32>,
      %add3A_128 = arith.constant 2560 : i32
      %add3A_129 = arith.addi %add3A_128, %mul3A_125 : i32
      %get3A_130 = arith.index_cast %add3A_129 : i32 to index
      %get3A_131 = tpu.vector_load %arg9[%get3A_130] {strides = array<i32>} : memref<13312xf32, #tpu.memory_space<vmem>>, vector<16xf32>,
      %add3A_132 = arith.addf %get3A_127, %get3A_131 : vector<16xf32>
      %add3A_133 = arith.constant 3072 : i32
      %add3A_134 = arith.addi %add3A_133, %mul3A_125 : i32
      %get3A_135 = arith.index_cast %add3A_134 : i32 to index
      %get3A_136 = tpu.vector_load %arg9[%get3A_135] {strides = array<i32>} : memref<13312xf32, #tpu.memory_space<vmem>>, vector<16xf32>,
      %add3A_137 = arith.addf %add3A_132, %get3A_136 : vector<16xf32>
      %add3A_138 = arith.constant 3584 : i32
      %add3A_139 = arith.addi %add3A_138, %mul3A_125 : i32
      %get3A_140 = arith.index_cast %add3A_139 : i32 to index
      %get3A_141 = tpu.vector_load %arg9[%get3A_140] {strides = array<i32>} : memref<13312xf32, #tpu.memory_space<vmem>>, vector<16xf32>,
      %add3A_142 = arith.addf %add3A_137, %get3A_141 : vector<16xf32>
      %add3A_143 = arith.constant 4096 : i32
      %add3A_144 = arith.addi %add3A_143, %mul3A_125 : i32
      %get3A_145 = arith.index_cast %add3A_144 : i32 to index
      %get3A_146 = tpu.vector_load %arg9[%get3A_145] {strides = array<i32>} : memref<13312xf32, #tpu.memory_space<vmem>>, vector<16xf32>,
      %add3A_147 = arith.addf %add3A_142, %get3A_146 : vector<16xf32>
      %add3A_148 = arith.constant 4608 : i32
      %add3A_149 = arith.addi %add3A_148, %mul3A_125 : i32
      %get3A_150 = arith.index_cast %add3A_149 : i32 to index
      %get3A_151 = tpu.vector_load %arg9[%get3A_150] {strides = array<i32>} : memref<13312xf32, #tpu.memory_space<vmem>>, vector<16xf32>,
      %add3A_152 = arith.addf %add3A_147, %get3A_151 : vector<16xf32>
      %add3A_153 = arith.constant 5120 : i32
      %add3A_154 = arith.addi %add3A_153, %mul3A_125 : i32
      %get3A_155 = arith.index_cast %add3A_154 : i32 to index
      %get3A_156 = tpu.vector_load %arg9[%get3A_155] {strides = array<i32>} : memref<13312xf32, #tpu.memory_space<vmem>>, vector<16xf32>,
      %add3A_157 = arith.addf %add3A_152, %get3A_156 : vector<16xf32>
      %add3A_158 = arith.constant 5632 : i32
      %add3A_159 = arith.addi %add3A_158, %mul3A_125 : i32
      %get3A_160 = arith.index_cast %add3A_159 : i32 to index
      %get3A_161 = tpu.vector_load %arg9[%get3A_160] {strides = array<i32>} : memref<13312xf32, #tpu.memory_space<vmem>>, vector<16xf32>,
      %add3A_162 = arith.addf %add3A_157, %get3A_161 : vector<16xf32>
      %add3A_163 = arith.constant 6144 : i32
      %add3A_164 = arith.addi %add3A_163, %mul3A_125 : i32
      %get3A_165 = arith.index_cast %add3A_164 : i32 to index
      %get3A_166 = tpu.vector_load %arg9[%get3A_165] {strides = array<i32>} : memref<13312xf32, #tpu.memory_space<vmem>>, vector<16xf32>,
      %add3A_167 = arith.addf %add3A_162, %get3A_166 : vector<16xf32>
      %swap3A = arith.index_cast %mul3A_125 : i32 to index
      %swap3A_168 = tpu.vector_load %arg12[%swap3A] {strides = array<i32>} : memref<512xf32, #tpu.memory_space<vmem>>, vector<16xf32>,
      tpu.vector_store %arg12[%swap3A], %add3A_167 {strides = array<i32>} : memref<512xf32, #tpu.memory_space<vmem>>, vector<16xf32>,
      %scan3A_169 = arith.constant 1 : i32
      %scan3A_170 = arith.addi %scan3A_123, %scan3A_169 : i32
      %mul3A_171 = arith.constant 16 : i32
      %mul3A_172 = arith.muli %scan3A_170, %mul3A_171 : i32
      %get3A_173 = arith.index_cast %mul3A_172 : i32 to index
      %get3A_174 = tpu.vector_load %arg12[%get3A_173] {strides = array<i32>} : memref<512xf32, #tpu.memory_space<vmem>>, vector<16xf32>,
      %add3A_175 = arith.constant 2560 : i32
      %add3A_176 = arith.addi %add3A_175, %mul3A_172 : i32
      %get3A_177 = arith.index_cast %add3A_176 : i32 to index
      %get3A_178 = tpu.vector_load %arg9[%get3A_177] {strides = array<i32>} : memref<13312xf32, #tpu.memory_space<vmem>>, vector<16xf32>,
      %add3A_179 = arith.addf %get3A_174, %get3A_178 : vector<16xf32>
      %add3A_180 = arith.constant 3072 : i32
      %add3A_181 = arith.addi %add3A_180, %mul3A_172 : i32
      %get3A_182 = arith.index_cast %add3A_181 : i32 to index
      %get3A_183 = tpu.vector_load %arg9[%get3A_182] {strides = array<i32>} : memref<13312xf32, #tpu.memory_space<vmem>>, vector<16xf32>,
      %add3A_184 = arith.addf %add3A_179, %get3A_183 : vector<16xf32>
      %add3A_185 = arith.constant 3584 : i32
      %add3A_186 = arith.addi %add3A_185, %mul3A_172 : i32
      %get3A_187 = arith.index_cast %add3A_186 : i32 to index
      %get3A_188 = tpu.vector_load %arg9[%get3A_187] {strides = array<i32>} : memref<13312xf32, #tpu.memory_space<vmem>>, vector<16xf32>,
      %add3A_189 = arith.addf %add3A_184, %get3A_188 : vector<16xf32>
      %add3A_190 = arith.constant 4096 : i32
      %add3A_191 = arith.addi %add3A_190, %mul3A_172 : i32
      %get3A_192 = arith.index_cast %add3A_191 : i32 to index
      %get3A_193 = tpu.vector_load %arg9[%get3A_192] {strides = array<i32>} : memref<13312xf32, #tpu.memory_space<vmem>>, vector<16xf32>,
      %add3A_194 = arith.addf %add3A_189, %get3A_193 : vector<16xf32>
      %add3A_195 = arith.constant 4608 : i32
      %add3A_196 = arith.addi %add3A_195, %mul3A_172 : i32
      %get3A_197 = arith.index_cast %add3A_196 : i32 to index
      %get3A_198 = tpu.vector_load %arg9[%get3A_197] {strides = array<i32>} : memref<13312xf32, #tpu.memory_space<vmem>>, vector<16xf32>,
      %add3A_199 = arith.addf %add3A_194, %get3A_198 : vector<16xf32>
      %add3A_200 = arith.constant 5120 : i32
      %add3A_201 = arith.addi %add3A_200, %mul3A_172 : i32
      %get3A_202 = arith.index_cast %add3A_201 : i32 to index
      %get3A_203 = tpu.vector_load %arg9[%get3A_202] {strides = array<i32>} : memref<13312xf32, #tpu.memory_space<vmem>>, vector<16xf32>,
      %add3A_204 = arith.addf %add3A_199, %get3A_203 : vector<16xf32>
      %add3A_205 = arith.constant 5632 : i32
      %add3A_206 = arith.addi %add3A_205, %mul3A_172 : i32
      %get3A_207 = arith.index_cast %add3A_206 : i32 to index
      %get3A_208 = tpu.vector_load %arg9[%get3A_207] {strides = array<i32>} : memref<13312xf32, #tpu.memory_space<vmem>>, vector<16xf32>,
      %add3A_209 = arith.addf %add3A_204, %get3A_208 : vector<16xf32>
      %add3A_210 = arith.constant 6144 : i32
      %add3A_211 = arith.addi %add3A_210, %mul3A_172 : i32
      %get3A_212 = arith.index_cast %add3A_211 : i32 to index
      %get3A_213 = tpu.vector_load %arg9[%get3A_212] {strides = array<i32>} : memref<13312xf32, #tpu.memory_space<vmem>>, vector<16xf32>,
      %add3A_214 = arith.addf %add3A_209, %get3A_213 : vector<16xf32>
      %swap3A_215 = arith.index_cast %mul3A_172 : i32 to index
      %swap3A_216 = tpu.vector_load %arg12[%swap3A_215] {strides = array<i32>} : memref<512xf32, #tpu.memory_space<vmem>>, vector<16xf32>,
      tpu.vector_store %arg12[%swap3A_215], %add3A_214 {strides = array<i32>} : memref<512xf32, #tpu.memory_space<vmem>>, vector<16xf32>,
      %scan3A_217 = arith.constant 2 : i32
      %scan3A_218 = arith.addi %scan3A_123, %scan3A_217 : i32
      %mul3A_219 = arith.constant 16 : i32
      %mul3A_220 = arith.muli %scan3A_218, %mul3A_219 : i32
      %get3A_221 = arith.index_cast %mul3A_220 : i32 to index
      %get3A_222 = tpu.vector_load %arg12[%get3A_221] {strides = array<i32>} : memref<512xf32, #tpu.memory_space<vmem>>, vector<16xf32>,
      %add3A_223 = arith.constant 2560 : i32
      %add3A_224 = arith.addi %add3A_223, %mul3A_220 : i32
      %get3A_225 = arith.index_cast %add3A_224 : i32 to index
      %get3A_226 = tpu.vector_load %arg9[%get3A_225] {strides = array<i32>} : memref<13312xf32, #tpu.memory_space<vmem>>, vector<16xf32>,
      %add3A_227 = arith.addf %get3A_222, %get3A_226 : vector<16xf32>
      %add3A_228 = arith.constant 3072 : i32
      %add3A_229 = arith.addi %add3A_228, %mul3A_220 : i32
      %get3A_230 = arith.index_cast %add3A_229 : i32 to index
      %get3A_231 = tpu.vector_load %arg9[%get3A_230] {strides = array<i32>} : memref<13312xf32, #tpu.memory_space<vmem>>, vector<16xf32>,
      %add3A_232 = arith.addf %add3A_227, %get3A_231 : vector<16xf32>
      %add3A_233 = arith.constant 3584 : i32
      %add3A_234 = arith.addi %add3A_233, %mul3A_220 : i32
      %get3A_235 = arith.index_cast %add3A_234 : i32 to index
      %get3A_236 = tpu.vector_load %arg9[%get3A_235] {strides = array<i32>} : memref<13312xf32, #tpu.memory_space<vmem>>, vector<16xf32>,
      %add3A_237 = arith.addf %add3A_232, %get3A_236 : vector<16xf32>
      %add3A_238 = arith.constant 4096 : i32
      %add3A_239 = arith.addi %add3A_238, %mul3A_220 : i32
      %get3A_240 = arith.index_cast %add3A_239 : i32 to index
      %get3A_241 = tpu.vector_load %arg9[%get3A_240] {strides = array<i32>} : memref<13312xf32, #tpu.memory_space<vmem>>, vector<16xf32>,
      %add3A_242 = arith.addf %add3A_237, %get3A_241 : vector<16xf32>
      %add3A_243 = arith.constant 4608 : i32
      %add3A_244 = arith.addi %add3A_243, %mul3A_220 : i32
      %get3A_245 = arith.index_cast %add3A_244 : i32 to index
      %get3A_246 = tpu.vector_load %arg9[%get3A_245] {strides = array<i32>} : memref<13312xf32, #tpu.memory_space<vmem>>, vector<16xf32>,
      %add3A_247 = arith.addf %add3A_242, %get3A_246 : vector<16xf32>
      %add3A_248 = arith.constant 5120 : i32
      %add3A_249 = arith.addi %add3A_248, %mul3A_220 : i32
      %get3A_250 = arith.index_cast %add3A_249 : i32 to index
      %get3A_251 = tpu.vector_load %arg9[%get3A_250] {strides = array<i32>} : memref<13312xf32, #tpu.memory_space<vmem>>, vector<16xf32>,
      %add3A_252 = arith.addf %add3A_247, %get3A_251 : vector<16xf32>
      %add3A_253 = arith.constant 5632 : i32
      %add3A_254 = arith.addi %add3A_253, %mul3A_220 : i32
      %get3A_255 = arith.index_cast %add3A_254 : i32 to index
      %get3A_256 = tpu.vector_load %arg9[%get3A_255] {strides = array<i32>} : memref<13312xf32, #tpu.memory_space<vmem>>, vector<16xf32>,
      %add3A_257 = arith.addf %add3A_252, %get3A_256 : vector<16xf32>
      %add3A_258 = arith.constant 6144 : i32
      %add3A_259 = arith.addi %add3A_258, %mul3A_220 : i32
      %get3A_260 = arith.index_cast %add3A_259 : i32 to index
      %get3A_261 = tpu.vector_load %arg9[%get3A_260] {strides = array<i32>} : memref<13312xf32, #tpu.memory_space<vmem>>, vector<16xf32>,
      %add3A_262 = arith.addf %add3A_257, %get3A_261 : vector<16xf32>
      %swap3A_263 = arith.index_cast %mul3A_220 : i32 to index
      %swap3A_264 = tpu.vector_load %arg12[%swap3A_263] {strides = array<i32>} : memref<512xf32, #tpu.memory_space<vmem>>, vector<16xf32>,
      tpu.vector_store %arg12[%swap3A_263], %add3A_262 {strides = array<i32>} : memref<512xf32, #tpu.memory_space<vmem>>, vector<16xf32>,
      %scan3A_265 = arith.constant 3 : i32
      %scan3A_266 = arith.addi %scan3A_123, %scan3A_265 : i32
      %mul3A_267 = arith.constant 16 : i32
      %mul3A_268 = arith.muli %scan3A_266, %mul3A_267 : i32
      %get3A_269 = arith.index_cast %mul3A_268 : i32 to index
      %get3A_270 = tpu.vector_load %arg12[%get3A_269] {strides = array<i32>} : memref<512xf32, #tpu.memory_space<vmem>>, vector<16xf32>,
      %add3A_271 = arith.constant 2560 : i32
      %add3A_272 = arith.addi %add3A_271, %mul3A_268 : i32
      %get3A_273 = arith.index_cast %add3A_272 : i32 to index
      %get3A_274 = tpu.vector_load %arg9[%get3A_273] {strides = array<i32>} : memref<13312xf32, #tpu.memory_space<vmem>>, vector<16xf32>,
      %add3A_275 = arith.addf %get3A_270, %get3A_274 : vector<16xf32>
      %add3A_276 = arith.constant 3072 : i32
      %add3A_277 = arith.addi %add3A_276, %mul3A_268 : i32
      %get3A_278 = arith.index_cast %add3A_277 : i32 to index
      %get3A_279 = tpu.vector_load %arg9[%get3A_278] {strides = array<i32>} : memref<13312xf32, #tpu.memory_space<vmem>>, vector<16xf32>,
      %add3A_280 = arith.addf %add3A_275, %get3A_279 : vector<16xf32>
      %add3A_281 = arith.constant 3584 : i32
      %add3A_282 = arith.addi %add3A_281, %mul3A_268 : i32
      %get3A_283 = arith.index_cast %add3A_282 : i32 to index
      %get3A_284 = tpu.vector_load %arg9[%get3A_283] {strides = array<i32>} : memref<13312xf32, #tpu.memory_space<vmem>>, vector<16xf32>,
      %add3A_285 = arith.addf %add3A_280, %get3A_284 : vector<16xf32>
      %add3A_286 = arith.constant 4096 : i32
      %add3A_287 = arith.addi %add3A_286, %mul3A_268 : i32
      %get3A_288 = arith.index_cast %add3A_287 : i32 to index
      %get3A_289 = tpu.vector_load %arg9[%get3A_288] {strides = array<i32>} : memref<13312xf32, #tpu.memory_space<vmem>>, vector<16xf32>,
      %add3A_290 = arith.addf %add3A_285, %get3A_289 : vector<16xf32>
      %add3A_291 = arith.constant 4608 : i32
      %add3A_292 = arith.addi %add3A_291, %mul3A_268 : i32
      %get3A_293 = arith.index_cast %add3A_292 : i32 to index
      %get3A_294 = tpu.vector_load %arg9[%get3A_293] {strides = array<i32>} : memref<13312xf32, #tpu.memory_space<vmem>>, vector<16xf32>,
      %add3A_295 = arith.addf %add3A_290, %get3A_294 : vector<16xf32>
      %add3A_296 = arith.constant 5120 : i32
      %add3A_297 = arith.addi %add3A_296, %mul3A_268 : i32
      %get3A_298 = arith.index_cast %add3A_297 : i32 to index
      %get3A_299 = tpu.vector_load %arg9[%get3A_298] {strides = array<i32>} : memref<13312xf32, #tpu.memory_space<vmem>>, vector<16xf32>,
      %add3A_300 = arith.addf %add3A_295, %get3A_299 : vector<16xf32>
      %add3A_301 = arith.constant 5632 : i32
      %add3A_302 = arith.addi %add3A_301, %mul3A_268 : i32
      %get3A_303 = arith.index_cast %add3A_302 : i32 to index
      %get3A_304 = tpu.vector_load %arg9[%get3A_303] {strides = array<i32>} : memref<13312xf32, #tpu.memory_space<vmem>>, vector<16xf32>,
      %add3A_305 = arith.addf %add3A_300, %get3A_304 : vector<16xf32>
      %add3A_306 = arith.constant 6144 : i32
      %add3A_307 = arith.addi %add3A_306, %mul3A_268 : i32
      %get3A_308 = arith.index_cast %add3A_307 : i32 to index
      %get3A_309 = tpu.vector_load %arg9[%get3A_308] {strides = array<i32>} : memref<13312xf32, #tpu.memory_space<vmem>>, vector<16xf32>,
      %add3A_310 = arith.addf %add3A_305, %get3A_309 : vector<16xf32>
      %swap3A_311 = arith.index_cast %mul3A_268 : i32 to index
      %swap3A_312 = tpu.vector_load %arg12[%swap3A_311] {strides = array<i32>} : memref<512xf32, #tpu.memory_space<vmem>>, vector<16xf32>,
      tpu.vector_store %arg12[%swap3A_311], %add3A_310 {strides = array<i32>} : memref<512xf32, #tpu.memory_space<vmem>>, vector<16xf32>,
    }
    %scan3A_98 = arith.constant 32 : i32
    %dma_wait3A_99 = arith.constant 6656 : i32
    %dma_wait3A_100 = tpu.memref_slice %arg9[%dma_wait3A_99] : memref<13312xf32, #tpu.memory_space<vmem>> -> memref<3584xf32, #tpu.memory_space<vmem>>
    %dma_wait3A_101 = arith.constant 6656 : i32
    %dma_wait3A_102 = tpu.memref_slice %arg8[%dma_wait3A_101] : memref<13312xi32, #tpu.memory_space<vmem>> -> memref<3584xi32, #tpu.memory_space<vmem>>
    %dma_wait3A_103 = arith.constant 0 : i32
    %dma_wait3A_104 = tpu.memref_slice %arg4[%dma_wait3A_103] : memref<1000448xf32, #tpu.memory_space<hbm>> -> memref<1000448xf32, #tpu.memory_space<hbm>>
    tpu.wait_indirect_dma semaphore(%arg13 : memref<!tpu.dma_semaphore, #tpu.memory_space<semaphore_mem>>) src(%dma_wait3A_104 : memref<1000448xf32, #tpu.memory_space<hbm>>) dst(%dma_wait3A_100 : memref<3584xf32, #tpu.memory_space<vmem>>)
    %scan3A_105 = arith.constant 0 : i32
    %scan3A_106 = arith.constant 0 : i32
    %scan3A_107 = arith.constant 32 : i32
    %scan3A_108 = arith.addi %scan3A_106, %scan3A_107 : i32
    %scan3A_109 = arith.constant 4 : i32
    scf.for %scan3A_123 = %scan3A_106 to %scan3A_108 step %scan3A_109  : i32 {
      %mul3A_124 = arith.constant 16 : i32
      %mul3A_125 = arith.muli %scan3A_123, %mul3A_124 : i32
      %get3A_126 = arith.index_cast %mul3A_125 : i32 to index
      %get3A_127 = tpu.vector_load %arg12[%get3A_126] {strides = array<i32>} : memref<512xf32, #tpu.memory_space<vmem>>, vector<16xf32>,
      %add3A_128 = arith.constant 6656 : i32
      %add3A_129 = arith.addi %add3A_128, %mul3A_125 : i32
      %get3A_130 = arith.index_cast %add3A_129 : i32 to index
      %get3A_131 = tpu.vector_load %arg9[%get3A_130] {strides = array<i32>} : memref<13312xf32, #tpu.memory_space<vmem>>, vector<16xf32>,
      %add3A_132 = arith.addf %get3A_127, %get3A_131 : vector<16xf32>
      %add3A_133 = arith.constant 7168 : i32
      %add3A_134 = arith.addi %add3A_133, %mul3A_125 : i32
      %get3A_135 = arith.index_cast %add3A_134 : i32 to index
      %get3A_136 = tpu.vector_load %arg9[%get3A_135] {strides = array<i32>} : memref<13312xf32, #tpu.memory_space<vmem>>, vector<16xf32>,
      %add3A_137 = arith.addf %add3A_132, %get3A_136 : vector<16xf32>
      %add3A_138 = arith.constant 7680 : i32
      %add3A_139 = arith.addi %add3A_138, %mul3A_125 : i32
      %get3A_140 = arith.index_cast %add3A_139 : i32 to index
      %get3A_141 = tpu.vector_load %arg9[%get3A_140] {strides = array<i32>} : memref<13312xf32, #tpu.memory_space<vmem>>, vector<16xf32>,
      %add3A_142 = arith.addf %add3A_137, %get3A_141 : vector<16xf32>
      %add3A_143 = arith.constant 8192 : i32
      %add3A_144 = arith.addi %add3A_143, %mul3A_125 : i32
      %get3A_145 = arith.index_cast %add3A_144 : i32 to index
      %get3A_146 = tpu.vector_load %arg9[%get3A_145] {strides = array<i32>} : memref<13312xf32, #tpu.memory_space<vmem>>, vector<16xf32>,
      %add3A_147 = arith.addf %add3A_142, %get3A_146 : vector<16xf32>
      %add3A_148 = arith.constant 8704 : i32
      %add3A_149 = arith.addi %add3A_148, %mul3A_125 : i32
      %get3A_150 = arith.index_cast %add3A_149 : i32 to index
      %get3A_151 = tpu.vector_load %arg9[%get3A_150] {strides = array<i32>} : memref<13312xf32, #tpu.memory_space<vmem>>, vector<16xf32>,
      %add3A_152 = arith.addf %add3A_147, %get3A_151 : vector<16xf32>
      %add3A_153 = arith.constant 9216 : i32
      %add3A_154 = arith.addi %add3A_153, %mul3A_125 : i32
      %get3A_155 = arith.index_cast %add3A_154 : i32 to index
      %get3A_156 = tpu.vector_load %arg9[%get3A_155] {strides = array<i32>} : memref<13312xf32, #tpu.memory_space<vmem>>, vector<16xf32>,
      %add3A_157 = arith.addf %add3A_152, %get3A_156 : vector<16xf32>
      %add3A_158 = arith.constant 9728 : i32
      %add3A_159 = arith.addi %add3A_158, %mul3A_125 : i32
      %get3A_160 = arith.index_cast %add3A_159 : i32 to index
      %get3A_161 = tpu.vector_load %arg9[%get3A_160] {strides = array<i32>} : memref<13312xf32, #tpu.memory_space<vmem>>, vector<16xf32>,
      %add3A_162 = arith.addf %add3A_157, %get3A_161 : vector<16xf32>
      %swap3A = arith.index_cast %mul3A_125 : i32 to index
      %swap3A_163 = tpu.vector_load %arg12[%swap3A] {strides = array<i32>} : memref<512xf32, #tpu.memory_space<vmem>>, vector<16xf32>,
      tpu.vector_store %arg12[%swap3A], %add3A_162 {strides = array<i32>} : memref<512xf32, #tpu.memory_space<vmem>>, vector<16xf32>,
      %scan3A_164 = arith.constant 1 : i32
      %scan3A_165 = arith.addi %scan3A_123, %scan3A_164 : i32
      %mul3A_166 = arith.constant 16 : i32
      %mul3A_167 = arith.muli %scan3A_165, %mul3A_166 : i32
      %get3A_168 = arith.index_cast %mul3A_167 : i32 to index
      %get3A_169 = tpu.vector_load %arg12[%get3A_168] {strides = array<i32>} : memref<512xf32, #tpu.memory_space<vmem>>, vector<16xf32>,
      %add3A_170 = arith.constant 6656 : i32
      %add3A_171 = arith.addi %add3A_170, %mul3A_167 : i32
      %get3A_172 = arith.index_cast %add3A_171 : i32 to index
      %get3A_173 = tpu.vector_load %arg9[%get3A_172] {strides = array<i32>} : memref<13312xf32, #tpu.memory_space<vmem>>, vector<16xf32>,
      %add3A_174 = arith.addf %get3A_169, %get3A_173 : vector<16xf32>
      %add3A_175 = arith.constant 7168 : i32
      %add3A_176 = arith.addi %add3A_175, %mul3A_167 : i32
      %get3A_177 = arith.index_cast %add3A_176 : i32 to index
      %get3A_178 = tpu.vector_load %arg9[%get3A_177] {strides = array<i32>} : memref<13312xf32, #tpu.memory_space<vmem>>, vector<16xf32>,
      %add3A_179 = arith.addf %add3A_174, %get3A_178 : vector<16xf32>
      %add3A_180 = arith.constant 7680 : i32
      %add3A_181 = arith.addi %add3A_180, %mul3A_167 : i32
      %get3A_182 = arith.index_cast %add3A_181 : i32 to index
      %get3A_183 = tpu.vector_load %arg9[%get3A_182] {strides = array<i32>} : memref<13312xf32, #tpu.memory_space<vmem>>, vector<16xf32>,
      %add3A_184 = arith.addf %add3A_179, %get3A_183 : vector<16xf32>
      %add3A_185 = arith.constant 8192 : i32
      %add3A_186 = arith.addi %add3A_185, %mul3A_167 : i32
      %get3A_187 = arith.index_cast %add3A_186 : i32 to index
      %get3A_188 = tpu.vector_load %arg9[%get3A_187] {strides = array<i32>} : memref<13312xf32, #tpu.memory_space<vmem>>, vector<16xf32>,
      %add3A_189 = arith.addf %add3A_184, %get3A_188 : vector<16xf32>
      %add3A_190 = arith.constant 8704 : i32
      %add3A_191 = arith.addi %add3A_190, %mul3A_167 : i32
      %get3A_192 = arith.index_cast %add3A_191 : i32 to index
      %get3A_193 = tpu.vector_load %arg9[%get3A_192] {strides = array<i32>} : memref<13312xf32, #tpu.memory_space<vmem>>, vector<16xf32>,
      %add3A_194 = arith.addf %add3A_189, %get3A_193 : vector<16xf32>
      %add3A_195 = arith.constant 9216 : i32
      %add3A_196 = arith.addi %add3A_195, %mul3A_167 : i32
      %get3A_197 = arith.index_cast %add3A_196 : i32 to index
      %get3A_198 = tpu.vector_load %arg9[%get3A_197] {strides = array<i32>} : memref<13312xf32, #tpu.memory_space<vmem>>, vector<16xf32>,
      %add3A_199 = arith.addf %add3A_194, %get3A_198 : vector<16xf32>
      %add3A_200 = arith.constant 9728 : i32
      %add3A_201 = arith.addi %add3A_200, %mul3A_167 : i32
      %get3A_202 = arith.index_cast %add3A_201 : i32 to index
      %get3A_203 = tpu.vector_load %arg9[%get3A_202] {strides = array<i32>} : memref<13312xf32, #tpu.memory_space<vmem>>, vector<16xf32>,
      %add3A_204 = arith.addf %add3A_199, %get3A_203 : vector<16xf32>
      %swap3A_205 = arith.index_cast %mul3A_167 : i32 to index
      %swap3A_206 = tpu.vector_load %arg12[%swap3A_205] {strides = array<i32>} : memref<512xf32, #tpu.memory_space<vmem>>, vector<16xf32>,
      tpu.vector_store %arg12[%swap3A_205], %add3A_204 {strides = array<i32>} : memref<512xf32, #tpu.memory_space<vmem>>, vector<16xf32>,
      %scan3A_207 = arith.constant 2 : i32
      %scan3A_208 = arith.addi %scan3A_123, %scan3A_207 : i32
      %mul3A_209 = arith.constant 16 : i32
      %mul3A_210 = arith.muli %scan3A_208, %mul3A_209 : i32
      %get3A_211 = arith.index_cast %mul3A_210 : i32 to index
      %get3A_212 = tpu.vector_load %arg12[%get3A_211] {strides = array<i32>} : memref<512xf32, #tpu.memory_space<vmem>>, vector<16xf32>,
      %add3A_213 = arith.constant 6656 : i32
      %add3A_214 = arith.addi %add3A_213, %mul3A_210 : i32
      %get3A_215 = arith.index_cast %add3A_214 : i32 to index
      %get3A_216 = tpu.vector_load %arg9[%get3A_215] {strides = array<i32>} : memref<13312xf32, #tpu.memory_space<vmem>>, vector<16xf32>,
      %add3A_217 = arith.addf %get3A_212, %get3A_216 : vector<16xf32>
      %add3A_218 = arith.constant 7168 : i32
      %add3A_219 = arith.addi %add3A_218, %mul3A_210 : i32
      %get3A_220 = arith.index_cast %add3A_219 : i32 to index
      %get3A_221 = tpu.vector_load %arg9[%get3A_220] {strides = array<i32>} : memref<13312xf32, #tpu.memory_space<vmem>>, vector<16xf32>,
      %add3A_222 = arith.addf %add3A_217, %get3A_221 : vector<16xf32>
      %add3A_223 = arith.constant 7680 : i32
      %add3A_224 = arith.addi %add3A_223, %mul3A_210 : i32
      %get3A_225 = arith.index_cast %add3A_224 : i32 to index
      %get3A_226 = tpu.vector_load %arg9[%get3A_225] {strides = array<i32>} : memref<13312xf32, #tpu.memory_space<vmem>>, vector<16xf32>,
      %add3A_227 = arith.addf %add3A_222, %get3A_226 : vector<16xf32>
      %add3A_228 = arith.constant 8192 : i32
      %add3A_229 = arith.addi %add3A_228, %mul3A_210 : i32
      %get3A_230 = arith.index_cast %add3A_229 : i32 to index
      %get3A_231 = tpu.vector_load %arg9[%get3A_230] {strides = array<i32>} : memref<13312xf32, #tpu.memory_space<vmem>>, vector<16xf32>,
      %add3A_232 = arith.addf %add3A_227, %get3A_231 : vector<16xf32>
      %add3A_233 = arith.constant 8704 : i32
      %add3A_234 = arith.addi %add3A_233, %mul3A_210 : i32
      %get3A_235 = arith.index_cast %add3A_234 : i32 to index
      %get3A_236 = tpu.vector_load %arg9[%get3A_235] {strides = array<i32>} : memref<13312xf32, #tpu.memory_space<vmem>>, vector<16xf32>,
      %add3A_237 = arith.addf %add3A_232, %get3A_236 : vector<16xf32>
      %add3A_238 = arith.constant 9216 : i32
      %add3A_239 = arith.addi %add3A_238, %mul3A_210 : i32
      %get3A_240 = arith.index_cast %add3A_239 : i32 to index
      %get3A_241 = tpu.vector_load %arg9[%get3A_240] {strides = array<i32>} : memref<13312xf32, #tpu.memory_space<vmem>>, vector<16xf32>,
      %add3A_242 = arith.addf %add3A_237, %get3A_241 : vector<16xf32>
      %add3A_243 = arith.constant 9728 : i32
      %add3A_244 = arith.addi %add3A_243, %mul3A_210 : i32
      %get3A_245 = arith.index_cast %add3A_244 : i32 to index
      %get3A_246 = tpu.vector_load %arg9[%get3A_245] {strides = array<i32>} : memref<13312xf32, #tpu.memory_space<vmem>>, vector<16xf32>,
      %add3A_247 = arith.addf %add3A_242, %get3A_246 : vector<16xf32>
      %swap3A_248 = arith.index_cast %mul3A_210 : i32 to index
      %swap3A_249 = tpu.vector_load %arg12[%swap3A_248] {strides = array<i32>} : memref<512xf32, #tpu.memory_space<vmem>>, vector<16xf32>,
      tpu.vector_store %arg12[%swap3A_248], %add3A_247 {strides = array<i32>} : memref<512xf32, #tpu.memory_space<vmem>>, vector<16xf32>,
      %scan3A_250 = arith.constant 3 : i32
      %scan3A_251 = arith.addi %scan3A_123, %scan3A_250 : i32
      %mul3A_252 = arith.constant 16 : i32
      %mul3A_253 = arith.muli %scan3A_251, %mul3A_252 : i32
      %get3A_254 = arith.index_cast %mul3A_253 : i32 to index
      %get3A_255 = tpu.vector_load %arg12[%get3A_254] {strides = array<i32>} : memref<512xf32, #tpu.memory_space<vmem>>, vector<16xf32>,
      %add3A_256 = arith.constant 6656 : i32
      %add3A_257 = arith.addi %add3A_256, %mul3A_253 : i32
      %get3A_258 = arith.index_cast %add3A_257 : i32 to index
      %get3A_259 = tpu.vector_load %arg9[%get3A_258] {strides = array<i32>} : memref<13312xf32, #tpu.memory_space<vmem>>, vector<16xf32>,
      %add3A_260 = arith.addf %get3A_255, %get3A_259 : vector<16xf32>
      %add3A_261 = arith.constant 7168 : i32
      %add3A_262 = arith.addi %add3A_261, %mul3A_253 : i32
      %get3A_263 = arith.index_cast %add3A_262 : i32 to index
      %get3A_264 = tpu.vector_load %arg9[%get3A_263] {strides = array<i32>} : memref<13312xf32, #tpu.memory_space<vmem>>, vector<16xf32>,
      %add3A_265 = arith.addf %add3A_260, %get3A_264 : vector<16xf32>
      %add3A_266 = arith.constant 7680 : i32
      %add3A_267 = arith.addi %add3A_266, %mul3A_253 : i32
      %get3A_268 = arith.index_cast %add3A_267 : i32 to index
      %get3A_269 = tpu.vector_load %arg9[%get3A_268] {strides = array<i32>} : memref<13312xf32, #tpu.memory_space<vmem>>, vector<16xf32>,
      %add3A_270 = arith.addf %add3A_265, %get3A_269 : vector<16xf32>
      %add3A_271 = arith.constant 8192 : i32
      %add3A_272 = arith.addi %add3A_271, %mul3A_253 : i32
      %get3A_273 = arith.index_cast %add3A_272 : i32 to index
      %get3A_274 = tpu.vector_load %arg9[%get3A_273] {strides = array<i32>} : memref<13312xf32, #tpu.memory_space<vmem>>, vector<16xf32>,
      %add3A_275 = arith.addf %add3A_270, %get3A_274 : vector<16xf32>
      %add3A_276 = arith.constant 8704 : i32
      %add3A_277 = arith.addi %add3A_276, %mul3A_253 : i32
      %get3A_278 = arith.index_cast %add3A_277 : i32 to index
      %get3A_279 = tpu.vector_load %arg9[%get3A_278] {strides = array<i32>} : memref<13312xf32, #tpu.memory_space<vmem>>, vector<16xf32>,
      %add3A_280 = arith.addf %add3A_275, %get3A_279 : vector<16xf32>
      %add3A_281 = arith.constant 9216 : i32
      %add3A_282 = arith.addi %add3A_281, %mul3A_253 : i32
      %get3A_283 = arith.index_cast %add3A_282 : i32 to index
      %get3A_284 = tpu.vector_load %arg9[%get3A_283] {strides = array<i32>} : memref<13312xf32, #tpu.memory_space<vmem>>, vector<16xf32>,
      %add3A_285 = arith.addf %add3A_280, %get3A_284 : vector<16xf32>
      %add3A_286 = arith.constant 9728 : i32
      %add3A_287 = arith.addi %add3A_286, %mul3A_253 : i32
      %get3A_288 = arith.index_cast %add3A_287 : i32 to index
      %get3A_289 = tpu.vector_load %arg9[%get3A_288] {strides = array<i32>} : memref<13312xf32, #tpu.memory_space<vmem>>, vector<16xf32>,
      %add3A_290 = arith.addf %add3A_285, %get3A_289 : vector<16xf32>
      %swap3A_291 = arith.index_cast %mul3A_253 : i32 to index
      %swap3A_292 = tpu.vector_load %arg12[%swap3A_291] {strides = array<i32>} : memref<512xf32, #tpu.memory_space<vmem>>, vector<16xf32>,
      tpu.vector_store %arg12[%swap3A_291], %add3A_290 {strides = array<i32>} : memref<512xf32, #tpu.memory_space<vmem>>, vector<16xf32>,
    }
    %scan3A_110 = arith.constant 32 : i32
    %dma_wait3A_111 = arith.constant 10240 : i32
    %dma_wait3A_112 = tpu.memref_slice %arg9[%dma_wait3A_111] : memref<13312xf32, #tpu.memory_space<vmem>> -> memref<3072xf32, #tpu.memory_space<vmem>>
    %dma_wait3A_113 = arith.constant 10240 : i32
    %dma_wait3A_114 = tpu.memref_slice %arg8[%dma_wait3A_113] : memref<13312xi32, #tpu.memory_space<vmem>> -> memref<3072xi32, #tpu.memory_space<vmem>>
    %dma_wait3A_115 = arith.constant 0 : i32
    %dma_wait3A_116 = tpu.memref_slice %arg4[%dma_wait3A_115] : memref<1000448xf32, #tpu.memory_space<hbm>> -> memref<1000448xf32, #tpu.memory_space<hbm>>
    tpu.wait_indirect_dma semaphore(%arg13 : memref<!tpu.dma_semaphore, #tpu.memory_space<semaphore_mem>>) src(%dma_wait3A_116 : memref<1000448xf32, #tpu.memory_space<hbm>>) dst(%dma_wait3A_112 : memref<3072xf32, #tpu.memory_space<vmem>>)
    %scan3A_117 = arith.constant 0 : i32
    %scan3A_118 = arith.constant 0 : i32
    %scan3A_119 = arith.constant 32 : i32
    %scan3A_120 = arith.addi %scan3A_118, %scan3A_119 : i32
    %scan3A_121 = arith.constant 4 : i32
    scf.for %scan3A_123 = %scan3A_118 to %scan3A_120 step %scan3A_121  : i32 {
      %mul3A_124 = arith.constant 16 : i32
      %mul3A_125 = arith.muli %scan3A_123, %mul3A_124 : i32
      %get3A_126 = arith.index_cast %mul3A_125 : i32 to index
      %get3A_127 = tpu.vector_load %arg12[%get3A_126] {strides = array<i32>} : memref<512xf32, #tpu.memory_space<vmem>>, vector<16xf32>,
      %add3A_128 = arith.constant 10240 : i32
      %add3A_129 = arith.addi %add3A_128, %mul3A_125 : i32
      %get3A_130 = arith.index_cast %add3A_129 : i32 to index
      %get3A_131 = tpu.vector_load %arg9[%get3A_130] {strides = array<i32>} : memref<13312xf32, #tpu.memory_space<vmem>>, vector<16xf32>,
      %add3A_132 = arith.addf %get3A_127, %get3A_131 : vector<16xf32>
      %add3A_133 = arith.constant 10752 : i32
      %add3A_134 = arith.addi %add3A_133, %mul3A_125 : i32
      %get3A_135 = arith.index_cast %add3A_134 : i32 to index
      %get3A_136 = tpu.vector_load %arg9[%get3A_135] {strides = array<i32>} : memref<13312xf32, #tpu.memory_space<vmem>>, vector<16xf32>,
      %add3A_137 = arith.addf %add3A_132, %get3A_136 : vector<16xf32>
      %add3A_138 = arith.constant 11264 : i32
      %add3A_139 = arith.addi %add3A_138, %mul3A_125 : i32
      %get3A_140 = arith.index_cast %add3A_139 : i32 to index
      %get3A_141 = tpu.vector_load %arg9[%get3A_140] {strides = array<i32>} : memref<13312xf32, #tpu.memory_space<vmem>>, vector<16xf32>,
      %add3A_142 = arith.addf %add3A_137, %get3A_141 : vector<16xf32>
      %add3A_143 = arith.constant 11776 : i32
      %add3A_144 = arith.addi %add3A_143, %mul3A_125 : i32
      %get3A_145 = arith.index_cast %add3A_144 : i32 to index
      %get3A_146 = tpu.vector_load %arg9[%get3A_145] {strides = array<i32>} : memref<13312xf32, #tpu.memory_space<vmem>>, vector<16xf32>,
      %add3A_147 = arith.addf %add3A_142, %get3A_146 : vector<16xf32>
      %add3A_148 = arith.constant 12288 : i32
      %add3A_149 = arith.addi %add3A_148, %mul3A_125 : i32
      %get3A_150 = arith.index_cast %add3A_149 : i32 to index
      %get3A_151 = tpu.vector_load %arg9[%get3A_150] {strides = array<i32>} : memref<13312xf32, #tpu.memory_space<vmem>>, vector<16xf32>,
      %add3A_152 = arith.addf %add3A_147, %get3A_151 : vector<16xf32>
      %add3A_153 = arith.constant 12800 : i32
      %add3A_154 = arith.addi %add3A_153, %mul3A_125 : i32
      %get3A_155 = arith.index_cast %add3A_154 : i32 to index
      %get3A_156 = tpu.vector_load %arg9[%get3A_155] {strides = array<i32>} : memref<13312xf32, #tpu.memory_space<vmem>>, vector<16xf32>,
      %add3A_157 = arith.addf %add3A_152, %get3A_156 : vector<16xf32>
      %swap3A = arith.index_cast %mul3A_125 : i32 to index
      %swap3A_158 = tpu.vector_load %arg12[%swap3A] {strides = array<i32>} : memref<512xf32, #tpu.memory_space<vmem>>, vector<16xf32>,
      tpu.vector_store %arg12[%swap3A], %add3A_157 {strides = array<i32>} : memref<512xf32, #tpu.memory_space<vmem>>, vector<16xf32>,
      %scan3A_159 = arith.constant 1 : i32
      %scan3A_160 = arith.addi %scan3A_123, %scan3A_159 : i32
      %mul3A_161 = arith.constant 16 : i32
      %mul3A_162 = arith.muli %scan3A_160, %mul3A_161 : i32
      %get3A_163 = arith.index_cast %mul3A_162 : i32 to index
      %get3A_164 = tpu.vector_load %arg12[%get3A_163] {strides = array<i32>} : memref<512xf32, #tpu.memory_space<vmem>>, vector<16xf32>,
      %add3A_165 = arith.constant 10240 : i32
      %add3A_166 = arith.addi %add3A_165, %mul3A_162 : i32
      %get3A_167 = arith.index_cast %add3A_166 : i32 to index
      %get3A_168 = tpu.vector_load %arg9[%get3A_167] {strides = array<i32>} : memref<13312xf32, #tpu.memory_space<vmem>>, vector<16xf32>,
      %add3A_169 = arith.addf %get3A_164, %get3A_168 : vector<16xf32>
      %add3A_170 = arith.constant 10752 : i32
      %add3A_171 = arith.addi %add3A_170, %mul3A_162 : i32
      %get3A_172 = arith.index_cast %add3A_171 : i32 to index
      %get3A_173 = tpu.vector_load %arg9[%get3A_172] {strides = array<i32>} : memref<13312xf32, #tpu.memory_space<vmem>>, vector<16xf32>,
      %add3A_174 = arith.addf %add3A_169, %get3A_173 : vector<16xf32>
      %add3A_175 = arith.constant 11264 : i32
      %add3A_176 = arith.addi %add3A_175, %mul3A_162 : i32
      %get3A_177 = arith.index_cast %add3A_176 : i32 to index
      %get3A_178 = tpu.vector_load %arg9[%get3A_177] {strides = array<i32>} : memref<13312xf32, #tpu.memory_space<vmem>>, vector<16xf32>,
      %add3A_179 = arith.addf %add3A_174, %get3A_178 : vector<16xf32>
      %add3A_180 = arith.constant 11776 : i32
      %add3A_181 = arith.addi %add3A_180, %mul3A_162 : i32
      %get3A_182 = arith.index_cast %add3A_181 : i32 to index
      %get3A_183 = tpu.vector_load %arg9[%get3A_182] {strides = array<i32>} : memref<13312xf32, #tpu.memory_space<vmem>>, vector<16xf32>,
      %add3A_184 = arith.addf %add3A_179, %get3A_183 : vector<16xf32>
      %add3A_185 = arith.constant 12288 : i32
      %add3A_186 = arith.addi %add3A_185, %mul3A_162 : i32
      %get3A_187 = arith.index_cast %add3A_186 : i32 to index
      %get3A_188 = tpu.vector_load %arg9[%get3A_187] {strides = array<i32>} : memref<13312xf32, #tpu.memory_space<vmem>>, vector<16xf32>,
      %add3A_189 = arith.addf %add3A_184, %get3A_188 : vector<16xf32>
      %add3A_190 = arith.constant 12800 : i32
      %add3A_191 = arith.addi %add3A_190, %mul3A_162 : i32
      %get3A_192 = arith.index_cast %add3A_191 : i32 to index
      %get3A_193 = tpu.vector_load %arg9[%get3A_192] {strides = array<i32>} : memref<13312xf32, #tpu.memory_space<vmem>>, vector<16xf32>,
      %add3A_194 = arith.addf %add3A_189, %get3A_193 : vector<16xf32>
      %swap3A_195 = arith.index_cast %mul3A_162 : i32 to index
      %swap3A_196 = tpu.vector_load %arg12[%swap3A_195] {strides = array<i32>} : memref<512xf32, #tpu.memory_space<vmem>>, vector<16xf32>,
      tpu.vector_store %arg12[%swap3A_195], %add3A_194 {strides = array<i32>} : memref<512xf32, #tpu.memory_space<vmem>>, vector<16xf32>,
      %scan3A_197 = arith.constant 2 : i32
      %scan3A_198 = arith.addi %scan3A_123, %scan3A_197 : i32
      %mul3A_199 = arith.constant 16 : i32
      %mul3A_200 = arith.muli %scan3A_198, %mul3A_199 : i32
      %get3A_201 = arith.index_cast %mul3A_200 : i32 to index
      %get3A_202 = tpu.vector_load %arg12[%get3A_201] {strides = array<i32>} : memref<512xf32, #tpu.memory_space<vmem>>, vector<16xf32>,
      %add3A_203 = arith.constant 10240 : i32
      %add3A_204 = arith.addi %add3A_203, %mul3A_200 : i32
      %get3A_205 = arith.index_cast %add3A_204 : i32 to index
      %get3A_206 = tpu.vector_load %arg9[%get3A_205] {strides = array<i32>} : memref<13312xf32, #tpu.memory_space<vmem>>, vector<16xf32>,
      %add3A_207 = arith.addf %get3A_202, %get3A_206 : vector<16xf32>
      %add3A_208 = arith.constant 10752 : i32
      %add3A_209 = arith.addi %add3A_208, %mul3A_200 : i32
      %get3A_210 = arith.index_cast %add3A_209 : i32 to index
      %get3A_211 = tpu.vector_load %arg9[%get3A_210] {strides = array<i32>} : memref<13312xf32, #tpu.memory_space<vmem>>, vector<16xf32>,
      %add3A_212 = arith.addf %add3A_207, %get3A_211 : vector<16xf32>
      %add3A_213 = arith.constant 11264 : i32
      %add3A_214 = arith.addi %add3A_213, %mul3A_200 : i32
      %get3A_215 = arith.index_cast %add3A_214 : i32 to index
      %get3A_216 = tpu.vector_load %arg9[%get3A_215] {strides = array<i32>} : memref<13312xf32, #tpu.memory_space<vmem>>, vector<16xf32>,
      %add3A_217 = arith.addf %add3A_212, %get3A_216 : vector<16xf32>
      %add3A_218 = arith.constant 11776 : i32
      %add3A_219 = arith.addi %add3A_218, %mul3A_200 : i32
      %get3A_220 = arith.index_cast %add3A_219 : i32 to index
      %get3A_221 = tpu.vector_load %arg9[%get3A_220] {strides = array<i32>} : memref<13312xf32, #tpu.memory_space<vmem>>, vector<16xf32>,
      %add3A_222 = arith.addf %add3A_217, %get3A_221 : vector<16xf32>
      %add3A_223 = arith.constant 12288 : i32
      %add3A_224 = arith.addi %add3A_223, %mul3A_200 : i32
      %get3A_225 = arith.index_cast %add3A_224 : i32 to index
      %get3A_226 = tpu.vector_load %arg9[%get3A_225] {strides = array<i32>} : memref<13312xf32, #tpu.memory_space<vmem>>, vector<16xf32>,
      %add3A_227 = arith.addf %add3A_222, %get3A_226 : vector<16xf32>
      %add3A_228 = arith.constant 12800 : i32
      %add3A_229 = arith.addi %add3A_228, %mul3A_200 : i32
      %get3A_230 = arith.index_cast %add3A_229 : i32 to index
      %get3A_231 = tpu.vector_load %arg9[%get3A_230] {strides = array<i32>} : memref<13312xf32, #tpu.memory_space<vmem>>, vector<16xf32>,
      %add3A_232 = arith.addf %add3A_227, %get3A_231 : vector<16xf32>
      %swap3A_233 = arith.index_cast %mul3A_200 : i32 to index
      %swap3A_234 = tpu.vector_load %arg12[%swap3A_233] {strides = array<i32>} : memref<512xf32, #tpu.memory_space<vmem>>, vector<16xf32>,
      tpu.vector_store %arg12[%swap3A_233], %add3A_232 {strides = array<i32>} : memref<512xf32, #tpu.memory_space<vmem>>, vector<16xf32>,
      %scan3A_235 = arith.constant 3 : i32
      %scan3A_236 = arith.addi %scan3A_123, %scan3A_235 : i32
      %mul3A_237 = arith.constant 16 : i32
      %mul3A_238 = arith.muli %scan3A_236, %mul3A_237 : i32
      %get3A_239 = arith.index_cast %mul3A_238 : i32 to index
      %get3A_240 = tpu.vector_load %arg12[%get3A_239] {strides = array<i32>} : memref<512xf32, #tpu.memory_space<vmem>>, vector<16xf32>,
      %add3A_241 = arith.constant 10240 : i32
      %add3A_242 = arith.addi %add3A_241, %mul3A_238 : i32
      %get3A_243 = arith.index_cast %add3A_242 : i32 to index
      %get3A_244 = tpu.vector_load %arg9[%get3A_243] {strides = array<i32>} : memref<13312xf32, #tpu.memory_space<vmem>>, vector<16xf32>,
      %add3A_245 = arith.addf %get3A_240, %get3A_244 : vector<16xf32>
      %add3A_246 = arith.constant 10752 : i32
      %add3A_247 = arith.addi %add3A_246, %mul3A_238 : i32
      %get3A_248 = arith.index_cast %add3A_247 : i32 to index
      %get3A_249 = tpu.vector_load %arg9[%get3A_248] {strides = array<i32>} : memref<13312xf32, #tpu.memory_space<vmem>>, vector<16xf32>,
      %add3A_250 = arith.addf %add3A_245, %get3A_249 : vector<16xf32>
      %add3A_251 = arith.constant 11264 : i32
      %add3A_252 = arith.addi %add3A_251, %mul3A_238 : i32
      %get3A_253 = arith.index_cast %add3A_252 : i32 to index
      %get3A_254 = tpu.vector_load %arg9[%get3A_253] {strides = array<i32>} : memref<13312xf32, #tpu.memory_space<vmem>>, vector<16xf32>,
      %add3A_255 = arith.addf %add3A_250, %get3A_254 : vector<16xf32>
      %add3A_256 = arith.constant 11776 : i32
      %add3A_257 = arith.addi %add3A_256, %mul3A_238 : i32
      %get3A_258 = arith.index_cast %add3A_257 : i32 to index
      %get3A_259 = tpu.vector_load %arg9[%get3A_258] {strides = array<i32>} : memref<13312xf32, #tpu.memory_space<vmem>>, vector<16xf32>,
      %add3A_260 = arith.addf %add3A_255, %get3A_259 : vector<16xf32>
      %add3A_261 = arith.constant 12288 : i32
      %add3A_262 = arith.addi %add3A_261, %mul3A_238 : i32
      %get3A_263 = arith.index_cast %add3A_262 : i32 to index
      %get3A_264 = tpu.vector_load %arg9[%get3A_263] {strides = array<i32>} : memref<13312xf32, #tpu.memory_space<vmem>>, vector<16xf32>,
      %add3A_265 = arith.addf %add3A_260, %get3A_264 : vector<16xf32>
      %add3A_266 = arith.constant 12800 : i32
      %add3A_267 = arith.addi %add3A_266, %mul3A_238 : i32
      %get3A_268 = arith.index_cast %add3A_267 : i32 to index
      %get3A_269 = tpu.vector_load %arg9[%get3A_268] {strides = array<i32>} : memref<13312xf32, #tpu.memory_space<vmem>>, vector<16xf32>,
      %add3A_270 = arith.addf %add3A_265, %get3A_269 : vector<16xf32>
      %swap3A_271 = arith.index_cast %mul3A_238 : i32 to index
      %swap3A_272 = tpu.vector_load %arg12[%swap3A_271] {strides = array<i32>} : memref<512xf32, #tpu.memory_space<vmem>>, vector<16xf32>,
      tpu.vector_store %arg12[%swap3A_271], %add3A_270 {strides = array<i32>} : memref<512xf32, #tpu.memory_space<vmem>>, vector<16xf32>,
    }
    %scan3A_122 = arith.constant 32 : i32
    "tpu.region"() ({
      %run_scoped3A = tpu.sem_alloc : memref<!tpu.dma_semaphore, #tpu.memory_space<semaphore_mem>>
      %dma_start3A_123 = tpu.memref_slice %arg7[%mul3A_2] : memref<16384xf32, #tpu.memory_space<hbm>> -> memref<512xf32, #tpu.memory_space<hbm>>
      %dma_start3A_124 = tpu.memref_slice %arg7[%mul3A_2] : memref<16384xf32, #tpu.memory_space<hbm>> -> memref<512xf32, #tpu.memory_space<hbm>>
      tpu.enqueue_dma source(%arg12 : memref<512xf32, #tpu.memory_space<vmem>>) target(%dma_start3A_124 : memref<512xf32, #tpu.memory_space<hbm>>) target_semaphore(%run_scoped3A : memref<!tpu.dma_semaphore, #tpu.memory_space<semaphore_mem>>)
      %dma_wait3A_125 = tpu.memref_slice %arg7[%mul3A_2] : memref<16384xf32, #tpu.memory_space<hbm>> -> memref<512xf32, #tpu.memory_space<hbm>>
      %dma_wait3A_126 = tpu.memref_slice %arg7[%mul3A_2] : memref<16384xf32, #tpu.memory_space<hbm>> -> memref<512xf32, #tpu.memory_space<hbm>>
      tpu.wait_dma2 semaphore(%run_scoped3A : memref<!tpu.dma_semaphore, #tpu.memory_space<semaphore_mem>>) src(%arg12 : memref<512xf32, #tpu.memory_space<vmem>>) dst(%dma_wait3A_126 : memref<512xf32, #tpu.memory_space<hbm>>)
      tpu.yield
    }) : () -> ()
    return
  }
}

</mosaic_0001>

<sc_bundles>
// kernel: kernel.3.cloned.1.call-start
scs
__scs_entry_jumppad:
0x0: {  	(pc) =	sbr.rel $0x88, $3  }
0x1: {  	(tag) =	ssettag $0x0;
	lr =	simm.s32 $0x1  }
0x2: {  	[smem:$0x3F9C] =	sst lr;
	_ =	strace $0xD0000000  }
0x3: {  	_ = 	snop  }
0x4: {  	_ = 	snop  }
0x5: {  	_ = 	snop  }
0x6: {  	_ = 	snop  }
0x7: {  	_ = 	snop  }
__scs_overlays_trampoline_lowered:
0x8: {  	[smem:$0x3FAB] =	sst s0  }
0x9: {  	[smem:$0x3FAC] =	sst s1  }
0xa: {  	[smem:$0x3FAD] =	sst s2  }
0xb: {  	[smem:$0x3FAE] =	sst s3  }
0xc: {  	[smem:$0x3FAF] =	sst s4  }
0xd: {  	[smem:$0x3FB0] =	sst s5  }
0xe: {  	[smem:$0x3FB1] =	sst s6  }
0xf: {  	[smem:$0x3FB2] =	sst s7  }
0x10: {  	[smem:$0x3FB3] =	sst s8  }
0x11: {  	[smem:$0x3FB4] =	sst s9;
	s0 =	simm.s32 @!p0 $0x0  }
0x12: {  	s1 =	sld [smem:$0x3F9A];
	s0 =	simm.s32 @p0 $0x1  }
0x13: {  	[smem:$0x3FB5] =	sst s0;
	s0 =	simm.s32 @!p1 $0x0  }
0x14: {  	s2 =	sld [smem:$0x3F99];
	s0 =	simm.s32 @p1 $0x1  }
0x15: {  	[smem:$0x3FB6] =	sst s0;
	s0 =	simm.s32 @!p2 $0x0  }
0x16: {  	s3 =	sld [smem:$0x3FDB];
	s0 =	simm.s32 @p2 $0x1  }
0x17: {  	s4 =	simm.s32 $0x1BF5;
	[smem:$0x3FB8] =	sst s0  }
0x18: {  	s0 =	sld [smem:$0x3F9B];
	_ =	swait.ge [sflag:s4], $0x0  }
0x19: {  	s7 =	sld [smem:$0x3F9C]  }
0x1a: {  	s8 =	sadd.s32 $0xFFFFE003, lr  }
0x1b: {  	s9 =	sadd.s32 $0xFFFFFEF7, lr;
	s5 =	simm.s32 $0xFFFFFFFF;
	p2 =	slt.u32 s8, $0xFFFFF086  }
0x1c: {  	p1 =	slt.u32 s9, $0xF7A;
	s5 =	simm.s32 @!p2 $0x0  }
0x1d: {  	s5 =	simm.s32 @p1 $0x1;
	p0 =	seq.s32 s7, s2  }
0x1e: {  	s7 =	smul.u32 @!p0 $0xF7A, s2;
	p2 =	seq.s32 @!p0 s5, $0x0  }
0x1f: {  	s9 =	smul.u32 $0xF7A, s1;
	s8 =	simm.s32 @!p0 $0x1BF5;
	p2 =	por !p2, p0  }
0x20: {  	[sflag:s8] =	ssyncset.s32 @!p0 $0xFFFFF086;
	s6 =	sadd.s32 @!p0 s3, s7;
	s7 =	simm.s32 @!p0 $0x108  }
0x21: {  	s3 =	sadd.s32 s3, s9;
	s6 =	sadd.s32 @!p0 $0x88, s6;
	s7 =	simm.s32 @p2 $0x1082  }
0x22: {  	[simem:s7], [sflag:s8] =	dma.local @!p0 [hbm:s6], $0xF7A  }
0x23: {  	s9 =	sor.u32 $0xD0000000, s2;
	s6 =	simm.s32 $0x108;
	_ =	swait.ge @!p0 [sflag:s8], $0x0  }
0x24: {  	s3 =	sadd.s32 $0x88, s3;
	s6 =	simm.s32 @!p1 $0x1082;
	[sflag:s4] =	ssyncset.s32 $0xFFFFF086  }
0x25: {  	[simem:s6], [sflag:s4] =	dma.local [hbm:s3], $0xF7A  }
0x26: {  	[smem:$0x3F9C] =	sst s1;
	(tag) =	ssettag s2;
	_ =	strace s9  }
0x27: {  	s1 =	sld [smem:$0x3FAC]  }
0x28: {  	s2 =	sld [smem:$0x3FAD]  }
0x29: {  	s4 =	sld [smem:$0x3FAF]  }
0x2a: {  	p0 =	seq.s32 s5, $0x0;
	s5 =	sld [smem:$0x3FB0]  }
0x2b: {  	s6 =	sld [smem:$0x3FB1]  }
0x2c: {  	s7 =	sld [smem:$0x3FB2]  }
0x2d: {  	s3 =	simm.s32 $0x108;
	s8 =	sld [smem:$0x3FB3]  }
0x2e: {  	s3 =	simm.s32 @!p0 $0x1082;
	s9 =	sld [smem:$0x3FB4]  }
0x2f: {  	lr =	sadd.s32 s0, s3;
	s0 =	sld [smem:$0x3FAB]  }
0x30: {  	s3 =	sld [smem:$0x3FAE]  }
0x31: {  	[smem:$0x3FB7] =	sst s10  }
0x32: {  	s10 =	sld [smem:$0x3FB5];
	_ =	sdelay $0x3  }
0x33: {  	p0 =	seq.s32 s10, $0x1;
	s10 =	sld [smem:$0x3FB7];
	_ =	sdelay $0x3  }
0x34: {  	[smem:$0x3FB7] =	sst s10  }
0x35: {  	s10 =	sld [smem:$0x3FB6];
	_ =	sdelay $0x3  }
0x36: {  	p1 =	seq.s32 s10, $0x1;
	s10 =	sld [smem:$0x3FB7];
	_ =	sdelay $0x3  }
0x37: {  	[smem:$0x3FB7] =	sst s10  }
0x38: {  	s10 =	sld [smem:$0x3FB8]  }
0x39: {  	_ = 	snop;
	(pc) =	sbr.ind lr, $3  }
0x3a: {  	_ = 	snop  }
0x3b: {  	_ = 	snop  }
0x3c: {  	p2 =	seq.s32 s10, $0x1;
	s10 =	sld [smem:$0x3FB7]  }
0x3d: {  	_ =	shalt  }
0x3e: {  	_ =	shalt  }
0x3f: {  	_ =	shalt  }
0x40: {  	_ =	shalt  }
0x41: {  	_ =	shalt  }
0x42: {  	_ =	shalt  }
0x43: {  	_ =	shalt  }
0x44: {  	_ =	shalt  }
0x45: {  	_ =	shalt  }
0x46: {  	_ =	shalt  }
0x47: {  	_ =	shalt  }
0x48: {  	_ =	shalt  }
0x49: {  	_ =	shalt  }
0x4a: {  	_ =	shalt  }
0x4b: {  	_ =	shalt  }
0x4c: {  	_ =	shalt  }
0x4d: {  	_ =	shalt  }
0x4e: {  	_ =	shalt  }
0x4f: {  	_ =	shalt  }
0x50: {  	_ =	shalt  }
0x51: {  	_ =	shalt  }
0x52: {  	_ =	shalt  }
0x53: {  	_ =	shalt  }
0x54: {  	_ =	shalt  }
0x55: {  	_ =	shalt  }
0x56: {  	_ =	shalt  }
0x57: {  	_ =	shalt  }
0x58: {  	_ =	shalt  }
0x59: {  	_ =	shalt  }
0x5a: {  	_ =	shalt  }
0x5b: {  	_ =	shalt  }
0x5c: {  	_ =	shalt  }
0x5d: {  	_ =	shalt  }
0x5e: {  	_ =	shalt  }
0x5f: {  	_ =	shalt  }
0x60: {  	_ =	shalt  }
0x61: {  	_ =	shalt  }
0x62: {  	_ =	shalt  }
0x63: {  	_ =	shalt  }
0x64: {  	_ =	shalt  }
0x65: {  	_ =	shalt  }
0x66: {  	_ =	shalt  }
0x67: {  	_ =	shalt  }
0x68: {  	_ =	shalt  }
0x69: {  	_ =	shalt  }
0x6a: {  	_ =	shalt  }
0x6b: {  	_ =	shalt  }
0x6c: {  	_ =	shalt  }
0x6d: {  	_ =	shalt  }
0x6e: {  	_ =	shalt  }
0x6f: {  	_ =	shalt  }
0x70: {  	_ =	shalt  }
0x71: {  	_ =	shalt  }
0x72: {  	_ =	shalt  }
0x73: {  	_ =	shalt  }
0x74: {  	_ =	shalt  }
0x75: {  	_ =	shalt  }
0x76: {  	_ =	shalt  }
0x77: {  	_ =	shalt  }
0x78: {  	_ =	shalt  }
0x79: {  	_ =	shalt  }
0x7a: {  	_ =	shalt  }
0x7b: {  	_ =	shalt  }
0x7c: {  	_ =	shalt  }
0x7d: {  	_ =	shalt  }
0x7e: {  	_ =	shalt  }
0x7f: {  	_ =	shalt  }
0x80: {  	_ =	shalt  }
0x81: {  	_ =	shalt  }
0x82: {  	_ =	shalt  }
0x83: {  	_ =	shalt  }
0x84: {  	_ =	shalt  }
0x85: {  	_ =	shalt  }
0x86: {  	_ =	shalt  }
0x87: {  	_ =	shalt  }
.Lfunc_end0:
.L_simem_size_0:
called_computation_lowered:
.L_overlay_start_0:
0x88: {  	s2 =	sld [smem:$0x3FD9]  }
0x89: {  	s3 =	sld [smem:$0x3FFE];
	_ =	sdelay $0x1  }
0x8a: {  	s1 =	srdreg.scid  }
0x8b: {  	s0 =	sand.u32 $0x1, s1  }
0x8c: {  	s17 =	sshll.u32 s0, $0xA;
	s2 =	sadd.s32 s3, s2  }
0x8d: {  	s2 =	sadd.s32 s2, s17  }
0x8e: {  	[smem:$0x3FC3] =	sst s2  }
0x8f: {  	_ = 	snop  }
0x90: {  	s2 =	sld [smem:$0x3FC9]  }
0x91: {  	s18 =	sld [smem:$0x3FC8]  }
0x92: {  	s4 =	sld [smem:$0x3FC6]  }
0x93: {  	s5 =	sld [smem:$0x3FC5]  }
0x94: {  	s6 =	sld [smem:$0x3FD0];
	(tm) =	ssettm $0x1  }
0x95: {  	s7 =	sld [smem:$0x3FFB];
	_ =	sdelay $0x3  }
0x96: {  	_ =	strace s7  }
0x97: {  	s7 =	sld [smem:$0x3FFC];
	_ =	sdelay $0x3  }
0x98: {  	_ =	strace s7  }
0x99: {  	s7 =	sld [smem:$0x3FFD];
	_ =	sdelay $0x3  }
0x9a: {  	_ =	strace s7  }
0x9b: {  	_ =	strace $0x8FFFFFFF  }
0x9c: {  	s19 =	sld [smem:$0x3FDB];
	_ =	sdelay $0x1  }
0x9d: {  	s8 =	simm.s32 $_scs_section_size  }
0x9e: {  	s9 =	simm.s32 $_size__tile_overlayer_lowered;
	s10 =	simm.s32 $_tile_overlayer_lowered  }
0x9f: {  	s22 =	simm.s32 $0x1BFF;
	s21 =	sshll.u32 s10, $0x1;
	s7 =	sadd.s32 s8, s19  }
0xa0: {  	s11 =	simm.s32 $0x0;
	s20 =	sshll.u32 s9, $0x1;
	s9 =	sadd.s32 s21, s7  }
0xa1: {  	[timem:s11], [sflag:s22] =	dma.local [hbm:s9], s20  }
0xa2: {  	_ =	swait.ge [sflag:s22], s20  }
0xa3: {  	s8 =	ssub.s32 $0x0, s20;
	[sflag:s22] =	ssyncset.done $0x0  }
0xa4: {  	[sflag:s22] =	ssyncadd.s32 s8;
	_ =	sdelay $0x1  }
0xa5: {  	s23 =	simm.s32 $0x1B8B  }
0xa6: {  	_ =	swait.ge [sflag:s23], $0x1  }
0xa7: {  	[sflag:s23] =	ssyncset.done $0x0  }
0xa8: {  	s25 =	simm.s32 $0x1B8E;
	s24 =	sld [smem:$0x3FFE];
	[sflag:s23] =	ssyncadd.s32 $0xFFFFFFFF  }
0xa9: {  	s26 =	simm.s32 $execute0_lowered;
	[smem:$0x3FD2] =	sst s25  }
0xaa: {  	s9 =	sshll.u32 s26, $0x1;
	_ =	strace $0x80000046;
	[dreg:$0x1] =	wrdreg $0xFFFFFFFF  }
0xab: {  	s28 =	simm.s32 $_size_execute0_lowered;
	s7 =	sadd.s32 s7, s9;
	[dreg:$0x0] =	wrdreg $0x0  }
0xac: {  	s9 =	sshll.u32 s28, $0x1;
	[dreg:$0x2] =	wrdreg s7  }
0xad: {  	[dreg:$0x3] =	wrdreg s9  }
0xae: {  	[dreg:$0x4] =	wrdreg $0xC0  }
0xaf: {  	_ =	task [dreg:s11], $0x5FFFF  }
0xb0: {  	[dreg:$0x1] =	wrdreg $0xFFFFFFFF  }
0xb1: {  	[dreg:$0x0] =	wrdreg $0x60  }
0xb2: {  	[dreg:$0x2] =	wrdreg s2  }
0xb3: {  	[dreg:$0x3] =	wrdreg s18  }
0xb4: {  	[dreg:$0x4] =	wrdreg s24  }
0xb5: {  	[dreg:$0x5] =	wrdreg s4  }
0xb6: {  	[dreg:$0x6] =	wrdreg s5  }
0xb7: {  	[dreg:$0x7] =	wrdreg s6  }
0xb8: {  	[dreg:$0x8] =	wrdreg $0x9  }
0xb9: {  	_ =	task.clear_ibuf [dreg:s11], $0x9FFFF;
	_ =	strace $0x90000046  }
0xba: {  	s29 =	simm.s32 $0x9;
	_ =	strace $0x80000048  }
0xbb: {  	_ =	swait.ge [sflag:s29], $0x1  }
0xbc: {  	[sflag:s29] =	ssyncadd.s32 $0xFFFFFFFF  }
0xbd: {  	_ =	strace $0x90000048  }
0xbe: {  	_ =	sfence  }
0xbf: {  	s30 =	sld [smem:$0x0];
	_ =	sdelay $0x2  }
0xc0: {  	s31 =	sshll.u32 s1, $0xD;
	s1 =	sshrl.u32 s1, $0x2  }
0xc1: {  	s3 =	sand.u32 $0x4000, s31;
	s1 =	sadd.s32 s1, s30  }
0xc2: {  	s0 =	sor.u32 s3, s0;
	s1 =	sshll.u32 s1, $0x11  }
0xc3: {  	s0 =	sor.u32 s1, s0  }
0xc4: {  	s0 =	sadd.s32 $0x8F2B, s0  }
0xc5: {  	[sflag:s0] =	ssyncadd.remote.s32 $0x1  }
0xc6: {  	_ =	sfence.sel $0xFFFF  }
0xc7: {  	[dreg:$0x0] =	wrdreg $0xFFFFFFFF;
	(pc) =	sbr.abs _section_cstart, $3  }
0xc8: {  	[dreg:$0x1] =	wrdreg $0xFFFFFFFF  }
0xc9: {  	_ =	task.clear_ibuf [dreg:s11], $0x2FFFF;
	_ =	strace $0x9FFFFFFF  }
0xca: {  	(tm) =	ssettm $0x7FFFFFFF  }
0xcb: {  	_ =	shalt  }
tec
execute0_lowered:
.L_overlay_start_1:
0x0: {  	(tag) =	ssettag $0x1  }
0x1: {  	s0 =	rddreg [dreg:$0x0]  }
0x2: {  	s1 =	rddreg [dreg:$0x1]  }
0x3: {  	s2 =	rddreg [dreg:$0x2]  }
0x4: {  	s3 =	rddreg [dreg:$0x5]  }
0x5: {  	s4 =	simm.s32 $0x0;
	s5 =	srdreg.scid;
	s7 =	stileid.u32  }
0x6: {  	s22 =	simm.s32 $0x80;
	s23 =	simm.s32 $0x400;
	s29 =	simm.s32 $0x3  }
0x7: {  	s30 =	simm.s32 $0xA00;
	[smem:$0x7FF] =	sst s4;
	s5 =	sand.u32 $0x1, s5  }
0x8: {  	s7 =	sshll.u32 s7, $0xA;
	s6 =	ssub.s32 $0x2, s5;
	s5 =	sshll.u32 s5, $0x9  }
0x9: {  	_ =	strace $0x80000047;
	s8 =	sshrl.u32 s6, $0x1;
	s7 =	sor.u32 s5, s7  }
0xa: {  	s5 =	sadd.s32 $0x400, s2;
	s2 =	simm.s32 $0x0;
	s26 =	ssub.s32 s6, s8  }
0xb: {  	s28 =	sshrl.u32 s7, $0x3;
	s6 =	sadd.s32 s1, s7;
	s7 =	sadd.s32 s0, s7  }
0xc: {  	s0 =	simm.s32 $0x2;
	s31 =	sadd.s32 s3, s28;
	s9 =	smax.u32 s26, $0x1  }
0xd: {  	s10 =	sadd.s32 $0x10, s7;
	s11 =	sadd.s32 $0x20, s7;
	s12 =	sadd.s32 $0x30, s7  }
0xe: {  	s13 =	sadd.s32 $0x40, s7;
	s14 =	sadd.s32 $0x50, s7;
	s15 =	sadd.s32 $0x60, s7  }
0xf: {  	s16 =	sadd.s32 $0x70, s7;
	s17 =	sadd.s32 $0x4000, s7;
	s18 =	sadd.s32 $0x4010, s7  }
0x10: {  	s19 =	sadd.s32 $0x4020, s7;
	s20 =	sadd.s32 $0x4030, s7;
	s21 =	sadd.s32 $0x4040, s7  }
0x11: {  	s26 =	simm.s32 $0x4;
	s3 =	simm.s32 $0x1;
	[dreg:$0x7] =	wrdreg s31  }
.LBB2_1:
0x12: {  	s1 =	sand.u32 $0xC000, s4;
	s24 =	sand.u32 $0x70, s4  }
0x13: {  	s1 =	sor.u32 s24, s1  }
0x14: {  	s31 =	simm.s32 $0x0;
	s1 =	sadd.s32 s1, s6  }
0x15: {  	[tilespmem:s31], [sflag:$0x3] =	stream.strided.gather [hbm4b:s1+s22], $0x200, s23, s22, $0x38;
	[tilespmem:$0x8480] =	vst v63  }
0x16: {  	s24 =	simm.s32 $0x0;
	s1 =	simm.s32 $0x800  }
.LBB2_2:
0x17: {  	s25 =	sand.u32 $0xC000, s1;
	p0 =	sne.s32 s1, $0xC800  }
.Ltmp0:
0x18: {  	s24 =	sadd.s32 $0x10, s24;
	s28 =	smov.u32 s1;
	(pc) =	sbr.rel @p0 .LBB2_2-.Ltmp0, $4  }
0x19: {  	s1 =	sadd.s32 $0x800, s1;
	s31 =	sand.u32 $0x70, s24  }
0x1a: {  	s25 =	sor.u32 s31, s25  }
0x1b: {  	s28 =	sshra.s32 s28, $0x2;
	s25 =	sadd.s32 s25, s6  }
0x1c: {  	[tilespmem:s28], [sflag:$0x3] =	stream.strided.gather [hbm4b:s25+s22], $0x200, s23, s22, $0x38;
	[tilespmem:$0x8480] =	vst v63  }
0x1d: {  	s1 =	simm.s32 $0x6800  }
0x1e: {  	[tilespmem:s1], [sflag:$0x2] =	stream.strided.gather [hbm4b:s7+s22], $0x200, s23, s22, $0x38;
	[tilespmem:$0x8480] =	vst v63  }
0x1f: {  	s8 =	simm.s32 $0x6A00  }
0x20: {  	[tilespmem:s8], [sflag:$0x2] =	stream.strided.gather [hbm4b:s10+s22], $0x200, s23, s22, $0x38;
	[tilespmem:$0x8480] =	vst v63  }
0x21: {  	s24 =	simm.s32 $0x6C00  }
0x22: {  	[tilespmem:s24], [sflag:$0x2] =	stream.strided.gather [hbm4b:s11+s22], $0x200, s23, s22, $0x38;
	[tilespmem:$0x8480] =	vst v63  }
0x23: {  	s25 =	simm.s32 $0x6E00  }
0x24: {  	[tilespmem:s25], [sflag:$0x2] =	stream.strided.gather [hbm4b:s12+s22], $0x200, s23, s22, $0x38;
	[tilespmem:$0x8480] =	vst v63  }
0x25: {  	s31 =	simm.s32 $0x7000  }
0x26: {  	[tilespmem:s31], [sflag:$0x2] =	stream.strided.gather [hbm4b:s13+s22], $0x200, s23, s22, $0x38;
	[tilespmem:$0x8480] =	vst v63  }
0x27: {  	s24 =	simm.s32 $0x7200  }
0x28: {  	[tilespmem:s24], [sflag:$0x2] =	stream.strided.gather [hbm4b:s14+s22], $0x200, s23, s22, $0x38;
	[tilespmem:$0x8480] =	vst v63  }
0x29: {  	s25 =	simm.s32 $0x7400  }
0x2a: {  	[tilespmem:s25], [sflag:$0x2] =	stream.strided.gather [hbm4b:s15+s22], $0x200, s23, s22, $0x38;
	[tilespmem:$0x8480] =	vst v63  }
0x2b: {  	s31 =	simm.s32 $0x7600  }
0x2c: {  	[tilespmem:s31], [sflag:$0x2] =	stream.strided.gather [hbm4b:s16+s22], $0x200, s23, s22, $0x38;
	[tilespmem:$0x8480] =	vst v63  }
0x2d: {  	s24 =	simm.s32 $0x7800  }
0x2e: {  	[tilespmem:s24], [sflag:$0x2] =	stream.strided.gather [hbm4b:s17+s22], $0x200, s23, s22, $0x38;
	[tilespmem:$0x8480] =	vst v63  }
0x2f: {  	s25 =	simm.s32 $0x7A00  }
0x30: {  	[tilespmem:s25], [sflag:$0x2] =	stream.strided.gather [hbm4b:s18+s22], $0x200, s23, s22, $0x38;
	[tilespmem:$0x8480] =	vst v63  }
0x31: {  	s31 =	simm.s32 $0x7C00  }
0x32: {  	[tilespmem:s31], [sflag:$0x2] =	stream.strided.gather [hbm4b:s19+s22], $0x200, s23, s22, $0x38;
	[tilespmem:$0x8480] =	vst v63  }
0x33: {  	s24 =	simm.s32 $0x7E00  }
0x34: {  	[tilespmem:s24], [sflag:$0x2] =	stream.strided.gather [hbm4b:s20+s22], $0x200, s23, s22, $0x38;
	[tilespmem:$0x8480] =	vst v63  }
0x35: {  	s25 =	simm.s32 $0x8000  }
0x36: {  	[tilespmem:s25], [sflag:$0x2] =	stream.strided.gather [hbm4b:s21+s22], $0x200, s23, s22, $0x38;
	[tilespmem:$0x8480] =	vst v63  }
0x37: {  	s31 =	rddreg [dreg:$0x3];
	s24 =	simm.s32 $0x0;
	s25 =	simm.s32 $0x8200  }
0x38: {  	[tilespmem:s25], [sflag:$0x4] =	stream.linear.gather [hbm4b:s31+s24], $0xD, $0x38;
	[tilespmem:$0x8480] =	vst v63  }
0x39: {  	_ =	swait.ge [sflag:s26], $0xD  }
0x3a: {  	[sflag:s26] =	ssyncset.done $0x0  }
0x3b: {  	[sflag:s26] =	ssyncadd.s32 $0xFFFFFFF3  }
0x3c: {  	s31 =	simm.s32 $0x8210;
	s25 =	rddreg [dreg:$0x4]  }
0x3d: {  	[tilespmem:s31], [sflag:$0x4] =	stream.linear.gather [hbm4b:s25+s24], $0x1, $0x38;
	[tilespmem:$0x8480] =	vst v63  }
0x3e: {  	_ =	swait.ge [sflag:s26], $0x1  }
0x3f: {  	[sflag:s26] =	ssyncset.done $0x0  }
0x40: {  	[sflag:s26] =	ssyncadd.s32 $0xFFFFFFFF  }
0x41: {  	_ =	swait.ge [sflag:s29], $0x200  }
0x42: {  	[sflag:s29] =	ssyncset.done $0x0  }
0x43: {  	[sflag:s29] =	ssyncadd.s32 $0xFFFFFE00  }
0x44: {  	_ =	swait.ge [sflag:s29], $0x200  }
0x45: {  	[sflag:s29] =	ssyncset.done $0x0  }
0x46: {  	[sflag:s29] =	ssyncadd.s32 $0xFFFFFE00  }
0x47: {  	_ =	swait.ge [sflag:s29], $0x200  }
0x48: {  	[sflag:s29] =	ssyncset.done $0x0  }
0x49: {  	[sflag:s29] =	ssyncadd.s32 $0xFFFFFE00  }
0x4a: {  	_ =	swait.ge [sflag:s29], $0x200  }
0x4b: {  	[sflag:s29] =	ssyncset.done $0x0  }
0x4c: {  	[sflag:s29] =	ssyncadd.s32 $0xFFFFFE00  }
0x4d: {  	_ =	swait.ge [sflag:s29], $0x200  }
0x4e: {  	[sflag:s29] =	ssyncset.done $0x0  }
0x4f: {  	s31 =	simm.s32 $0x3400;
	[sflag:s29] =	ssyncadd.s32 $0xFFFFFE00  }
0x50: {  	[tilespmem:s31], [sflag:$0x1] =	stream.indirect.gather [hbm4b:s5+s30], $0x1, s24, s30, $0xb8;
	[tilespmem:$0x8480] =	vst v63  }
0x51: {  	_ =	swait.ge [sflag:s29], $0x200  }
0x52: {  	[sflag:s29] =	ssyncset.done $0x0  }
0x53: {  	[sflag:s29] =	ssyncadd.s32 $0xFFFFFE00  }
0x54: {  	_ =	swait.ge [sflag:s29], $0x200  }
0x55: {  	[sflag:s29] =	ssyncset.done $0x0  }
0x56: {  	[sflag:s29] =	ssyncadd.s32 $0xFFFFFE00  }
0x57: {  	_ =	swait.ge [sflag:s29], $0x200  }
0x58: {  	[sflag:s29] =	ssyncset.done $0x0  }
0x59: {  	[sflag:s29] =	ssyncadd.s32 $0xFFFFFE00  }
0x5a: {  	_ =	swait.ge [sflag:s29], $0x200  }
0x5b: {  	[sflag:s29] =	ssyncset.done $0x0  }
0x5c: {  	[sflag:s29] =	ssyncadd.s32 $0xFFFFFE00  }
0x5d: {  	_ =	swait.ge [sflag:s29], $0x200  }
0x5e: {  	[sflag:s29] =	ssyncset.done $0x0  }
0x5f: {  	[sflag:s29] =	ssyncadd.s32 $0xFFFFFE00  }
0x60: {  	_ =	swait.ge [sflag:s29], $0x200  }
0x61: {  	[sflag:s29] =	ssyncset.done $0x0  }
0x62: {  	[sflag:s29] =	ssyncadd.s32 $0xFFFFFE00  }
0x63: {  	_ =	swait.ge [sflag:s29], $0x200  }
0x64: {  	[sflag:s29] =	ssyncset.done $0x0  }
0x65: {  	[sflag:s29] =	ssyncadd.s32 $0xFFFFFE00  }
0x66: {  	_ =	swait.ge [sflag:s29], $0x200  }
0x67: {  	[sflag:s29] =	ssyncset.done $0x0  }
0x68: {  	s25 =	simm.s32 $0x1000;
	s31 =	simm.s32 $0x3E00;
	[sflag:s29] =	ssyncadd.s32 $0xFFFFFE00  }
0x69: {  	[tilespmem:s31], [sflag:$0x1] =	stream.indirect.gather [hbm4b:s5+s25], $0x1, s30, s25, $0xb8;
	[tilespmem:$0x8480] =	vst v63  }
0x6a: {  	_ =	swait.ge [sflag:s29], $0x200  }
0x6b: {  	[sflag:s29] =	ssyncset.done $0x0  }
0x6c: {  	[sflag:s29] =	ssyncadd.s32 $0xFFFFFE00  }
0x6d: {  	_ =	swait.ge [sflag:s29], $0x200  }
0x6e: {  	[sflag:s29] =	ssyncset.done $0x0  }
0x6f: {  	[sflag:s29] =	ssyncadd.s32 $0xFFFFFE00  }
0x70: {  	_ =	swait.ge [sflag:s29], $0x200  }
0x71: {  	[sflag:s29] =	ssyncset.done $0x0  }
0x72: {  	[sflag:s29] =	ssyncadd.s32 $0xFFFFFE00  }
0x73: {  	_ =	swait.ge [sflag:s29], $0x200  }
0x74: {  	[sflag:s29] =	ssyncset.done $0x0  }
0x75: {  	[sflag:s29] =	ssyncadd.s32 $0xFFFFFE00  }
0x76: {  	_ =	swait.ge [sflag:s29], $0x200  }
0x77: {  	[sflag:s29] =	ssyncset.done $0x0  }
0x78: {  	[sflag:s29] =	ssyncadd.s32 $0xFFFFFE00  }
0x79: {  	_ =	swait.ge [sflag:s29], $0x200  }
0x7a: {  	[sflag:s29] =	ssyncset.done $0x0  }
0x7b: {  	[sflag:s29] =	ssyncadd.s32 $0xFFFFFE00  }
0x7c: {  	_ =	swait.ge [sflag:s29], $0x200  }
0x7d: {  	s28 =	simm.s32 $0x4E00;
	[sflag:s29] =	ssyncset.done $0x0  }
0x7e: {  	s25 =	simm.s32 $0xE00;
	s31 =	simm.s32 $0x1A00;
	[sflag:s29] =	ssyncadd.s32 $0xFFFFFE00  }
0x7f: {  	[tilespmem:s28], [sflag:$0x1] =	stream.indirect.gather [hbm4b:s5+s25], $0x1, s31, s25, $0xb8;
	[tilespmem:$0x8480] =	vst v63  }
0x80: {  	_ =	swait.ge [sflag:s29], $0x200  }
0x81: {  	[sflag:s29] =	ssyncset.done $0x0  }
0x82: {  	[sflag:s29] =	ssyncadd.s32 $0xFFFFFE00  }
0x83: {  	_ =	swait.ge [sflag:s29], $0x200  }
0x84: {  	[sflag:s29] =	ssyncset.done $0x0  }
0x85: {  	[sflag:s29] =	ssyncadd.s32 $0xFFFFFE00  }
0x86: {  	_ =	swait.ge [sflag:s29], $0x200  }
0x87: {  	[sflag:s29] =	ssyncset.done $0x0  }
0x88: {  	[sflag:s29] =	ssyncadd.s32 $0xFFFFFE00  }
0x89: {  	_ =	swait.ge [sflag:s29], $0x200  }
0x8a: {  	[sflag:s29] =	ssyncset.done $0x0  }
0x8b: {  	[sflag:s29] =	ssyncadd.s32 $0xFFFFFE00  }
0x8c: {  	_ =	swait.ge [sflag:s29], $0x200  }
0x8d: {  	[sflag:s29] =	ssyncset.done $0x0  }
0x8e: {  	[sflag:s29] =	ssyncadd.s32 $0xFFFFFE00  }
0x8f: {  	_ =	swait.ge [sflag:s29], $0x200  }
0x90: {  	s25 =	simm.s32 $0xC00;
	[sflag:s29] =	ssyncset.done $0x0  }
0x91: {  	s31 =	simm.s32 $0x2800;
	s28 =	simm.s32 $0x5C00;
	[sflag:s29] =	ssyncadd.s32 $0xFFFFFE00  }
0x92: {  	[tilespmem:s28], [sflag:$0x1] =	stream.indirect.gather [hbm4b:s5+s25], $0x1, s31, s25, $0xb8;
	[tilespmem:$0x8480] =	vst v63  }
0x93: {  	_ =	swait.ge [sflag:s0], $0x200  }
0x94: {  	[sflag:s0] =	ssyncset.done $0x0  }
0x95: {  	[sflag:s0] =	ssyncadd.s32 $0xFFFFFE00  }
0x96: {  	_ =	swait.ge [sflag:s0], $0x200  }
0x97: {  	[sflag:s0] =	ssyncset.done $0x0  }
0x98: {  	[sflag:s0] =	ssyncadd.s32 $0xFFFFFE00  }
0x99: {  	_ =	swait.ge [sflag:s0], $0x200  }
0x9a: {  	[sflag:s0] =	ssyncset.done $0x0  }
0x9b: {  	[sflag:s0] =	ssyncadd.s32 $0xFFFFFE00  }
0x9c: {  	_ =	swait.ge [sflag:s0], $0x200  }
0x9d: {  	[sflag:s0] =	ssyncset.done $0x0  }
0x9e: {  	[sflag:s0] =	ssyncadd.s32 $0xFFFFFE00  }
0x9f: {  	_ =	swait.ge [sflag:s0], $0x200  }
0xa0: {  	[sflag:s0] =	ssyncset.done $0x0  }
0xa1: {  	[sflag:s0] =	ssyncadd.s32 $0xFFFFFE00  }
0xa2: {  	_ =	swait.ge [sflag:s0], $0x200  }
0xa3: {  	[sflag:s0] =	ssyncset.done $0x0  }
0xa4: {  	[sflag:s0] =	ssyncadd.s32 $0xFFFFFE00  }
0xa5: {  	_ =	swait.ge [sflag:s0], $0x200  }
0xa6: {  	[sflag:s0] =	ssyncset.done $0x0  }
0xa7: {  	[sflag:s0] =	ssyncadd.s32 $0xFFFFFE00  }
0xa8: {  	_ =	swait.ge [sflag:s0], $0x200  }
0xa9: {  	[sflag:s0] =	ssyncset.done $0x0  }
0xaa: {  	[sflag:s0] =	ssyncadd.s32 $0xFFFFFE00  }
0xab: {  	_ =	swait.ge [sflag:s0], $0x200  }
0xac: {  	[sflag:s0] =	ssyncset.done $0x0  }
0xad: {  	[sflag:s0] =	ssyncadd.s32 $0xFFFFFE00  }
0xae: {  	_ =	swait.ge [sflag:s0], $0x200  }
0xaf: {  	[sflag:s0] =	ssyncset.done $0x0  }
0xb0: {  	[sflag:s0] =	ssyncadd.s32 $0xFFFFFE00  }
0xb1: {  	_ =	swait.ge [sflag:s0], $0x200  }
0xb2: {  	[sflag:s0] =	ssyncset.done $0x0  }
0xb3: {  	[sflag:s0] =	ssyncadd.s32 $0xFFFFFE00  }
0xb4: {  	_ =	swait.ge [sflag:s0], $0x200  }
0xb5: {  	[sflag:s0] =	ssyncset.done $0x0  }
0xb6: {  	[sflag:s0] =	ssyncadd.s32 $0xFFFFFE00  }
0xb7: {  	_ =	swait.ge [sflag:s0], $0x200  }
0xb8: {  	[sflag:s0] =	ssyncset.done $0x0  }
0xb9: {  	[sflag:s0] =	ssyncadd.s32 $0xFFFFFE00  }
0xba: {  	v13 =	vld [tilespmem:$0x8200]  }
0xbb: {  	v0 =	vld [tilespmem:$0x8208]  }
0xbc: {  	v3 =	vld [tilespmem:s1+$0x0]  }
0xbd: {  	s31 =	sand.u32 $0x1F0, s24  }
0xbe: {  	v4 =	vld [tilespmem:s31+$0x6A00]  }
0xbf: {  	v1 =	vbroadcast v13, $0x0  }
0xc0: {  	v5 =	vld [tilespmem:s31+$0x6C00];
	v0 =	vbroadcast v0, $0x8  }
0xc1: {  	v2 =	vbroadcast v13, $0x1;
	v6 =	vmul.f32 v3, v1  }
0xc2: {  	v7 =	vld [tilespmem:s31+$0x6E00]  }
0xc3: {  	v3 =	vbroadcast v13, $0x2;
	v8 =	vmul.f32 v4, v2;
	v6 =	vadd.f32 v6, v0  }
0xc4: {  	v9 =	vld [tilespmem:s31+$0x7000]  }
0xc5: {  	v4 =	vbroadcast v13, $0x3;
	v6 =	vadd.f32 v8, v6;
	v8 =	vmul.f32 v5, v3  }
0xc6: {  	v10 =	vld [tilespmem:s31+$0x7200]  }
0xc7: {  	v7 =	vmul.f32 v7, v4;
	v5 =	vbroadcast v13, $0x4;
	v8 =	vadd.f32 v8, v6  }
0xc8: {  	v11 =	vld [tilespmem:s31+$0x7400]  }
0xc9: {  	v6 =	vbroadcast v13, $0x5;
	v9 =	vmul.f32 v9, v5;
	v8 =	vadd.f32 v7, v8  }
0xca: {  	v12 =	vld [tilespmem:s31+$0x7600]  }
0xcb: {  	v7 =	vbroadcast v13, $0x6;
	v10 =	vmul.f32 v10, v6;
	v9 =	vadd.f32 v9, v8  }
0xcc: {  	v14 =	vld [tilespmem:s31+$0x7800]  }
0xcd: {  	v8 =	vbroadcast v13, $0x7;
	v11 =	vmul.f32 v11, v7;
	v10 =	vadd.f32 v10, v9  }
0xce: {  	v15 =	vld [tilespmem:s31+$0x7A00]  }
0xcf: {  	v9 =	vbroadcast v13, $0x8;
	v12 =	vmul.f32 v12, v8;
	v11 =	vadd.f32 v11, v10  }
0xd0: {  	v16 =	vld [tilespmem:s31+$0x7C00]  }
0xd1: {  	v10 =	vbroadcast v13, $0x9;
	v14 =	vmul.f32 v14, v9;
	v12 =	vadd.f32 v12, v11  }
0xd2: {  	v17 =	vld [tilespmem:s31+$0x7E00]  }
0xd3: {  	v11 =	vbroadcast v13, $0xA;
	v15 =	vmul.f32 v15, v10;
	v14 =	vadd.f32 v14, v12  }
0xd4: {  	v18 =	vld [tilespmem:s31+$0x8000]  }
0xd5: {  	v12 =	vbroadcast v13, $0xB;
	v14 =	vadd.f32 v15, v14;
	v15 =	vmul.f32 v16, v11;
	_ =	sdelay $0x1  }
0xd6: {  	v13 =	vbroadcast v13, $0xC;
	v14 =	vadd.f32 v15, v14;
	v15 =	vmul.f32 v17, v12;
	_ =	sdelay $0x1  }
0xd7: {  	v14 =	vadd.f32 v15, v14;
	v15 =	vmul.f32 v18, v13;
	_ =	sdelay $0x1  }
0xd8: {  	v14 =	vadd.f32 v15, v14  }
0xd9: {  	s1 =	simm.s32 $0x8280  }
0xda: {  	s24 =	simm.s32 $0x6810;
	[tilespmem:s1+$0x0] =	vst v14  }
0xdb: {  	s25 =	simm.s32 $0x10;
	s28 =	simm.s32 $0x20;
	v14 =	vld [tilespmem:s24+$0x0]  }
.LBB2_4:
0xdc: {  	p0 =	sne.s32 s28, $0x1F0;
	s31 =	sand.u32 $0x1F0, s25;
	s25 =	smov.u32 s28  }
0xdd: {  	v15 =	vld [tilespmem:s31+$0x6A00];
	_ =	sdelay $0x1  }
0xde: {  	v16 =	vld [tilespmem:s31+$0x6C00]  }
0xdf: {  	v14 =	vmul.f32 v14, v1  }
0xe0: {  	v17 =	vld [tilespmem:s31+$0x6E00]  }
0xe1: {  	v14 =	vadd.f32 v14, v0;
	v15 =	vmul.f32 v15, v2  }
0xe2: {  	v18 =	vld [tilespmem:s31+$0x7000]  }
0xe3: {  	v14 =	vadd.f32 v15, v14;
	v15 =	vmul.f32 v16, v3  }
0xe4: {  	v16 =	vld [tilespmem:s31+$0x7200]  }
0xe5: {  	v14 =	vadd.f32 v15, v14;
	v15 =	vmul.f32 v17, v4  }
0xe6: {  	v17 =	vld [tilespmem:s31+$0x7400]  }
0xe7: {  	v14 =	vadd.f32 v15, v14;
	v15 =	vmul.f32 v18, v5  }
0xe8: {  	v18 =	vld [tilespmem:s31+$0x7600]  }
0xe9: {  	v14 =	vadd.f32 v15, v14;
	v15 =	vmul.f32 v16, v6  }
0xea: {  	v16 =	vld [tilespmem:s31+$0x7800]  }
0xeb: {  	v14 =	vadd.f32 v15, v14;
	v15 =	vmul.f32 v17, v7  }
0xec: {  	v17 =	vld [tilespmem:s31+$0x7A00]  }
0xed: {  	v14 =	vadd.f32 v15, v14;
	v15 =	vmul.f32 v18, v8  }
0xee: {  	v18 =	vld [tilespmem:s31+$0x7C00]  }
0xef: {  	v14 =	vadd.f32 v15, v14;
	v15 =	vmul.f32 v16, v9  }
0xf0: {  	v16 =	vld [tilespmem:s31+$0x7E00]  }
0xf1: {  	v14 =	vadd.f32 v15, v14;
	v15 =	vmul.f32 v17, v10  }
0xf2: {  	v17 =	vld [tilespmem:s31+$0x8000]  }
0xf3: {  	v14 =	vadd.f32 v15, v14;
	v15 =	vmul.f32 v18, v11;
	_ =	sdelay $0x1  }
0xf4: {  	v14 =	vadd.f32 v15, v14;
	v15 =	vmul.f32 v16, v12;
	_ =	sdelay $0x1  }
0xf5: {  	v14 =	vadd.f32 v15, v14;
	v15 =	vmul.f32 v17, v13  }
.Ltmp1:
0xf6: {  	(pc) =	sbr.rel @p0 .LBB2_4-.Ltmp1, $4  }
0xf7: {  	v14 =	vadd.f32 v15, v14  }
0xf8: {  	s1 =	sadd.s32 $0x10, s1  }
0xf9: {  	s24 =	sadd.s32 $0x10, s24;
	[tilespmem:s1+$0x0] =	vst v14  }
0xfa: {  	s28 =	sadd.s32 $0x10, s28;
	v14 =	vld [tilespmem:s24+$0x0]  }
0xfb: {  	s24 =	sand.u32 $0x1F0, s25  }
0xfc: {  	v15 =	vld [tilespmem:s24+$0x6A00];
	_ =	sdelay $0x1  }
0xfd: {  	v16 =	vld [tilespmem:s24+$0x6C00]  }
0xfe: {  	v1 =	vmul.f32 v14, v1  }
0xff: {  	v60 =	vld [tilespmem:s24+$0x6E00]  }
0x100: {  	v0 =	vadd.f32 v1, v0;
	v1 =	vmul.f32 v15, v2  }
0x101: {  	v2 =	vld [tilespmem:s24+$0x7000]  }
0x102: {  	v0 =	vadd.f32 v1, v0;
	v1 =	vmul.f32 v16, v3  }
0x103: {  	v3 =	vld [tilespmem:s24+$0x7200]  }
0x104: {  	v0 =	vadd.f32 v1, v0;
	v1 =	vmul.f32 v60, v4  }
0x105: {  	v61 =	vld [tilespmem:s24+$0x7400]  }
0x106: {  	v0 =	vadd.f32 v1, v0;
	v1 =	vmul.f32 v2, v5  }
0x107: {  	v2 =	vld [tilespmem:s24+$0x7600]  }
0x108: {  	v0 =	vadd.f32 v1, v0;
	v1 =	vmul.f32 v3, v6  }
0x109: {  	v3 =	vld [tilespmem:s24+$0x7800]  }
0x10a: {  	v0 =	vadd.f32 v1, v0;
	v1 =	vmul.f32 v61, v7  }
0x10b: {  	v62 =	vld [tilespmem:s24+$0x7A00]  }
0x10c: {  	v0 =	vadd.f32 v1, v0;
	v1 =	vmul.f32 v2, v8  }
0x10d: {  	v2 =	vld [tilespmem:s24+$0x7C00]  }
0x10e: {  	v0 =	vadd.f32 v1, v0;
	v1 =	vmul.f32 v3, v9  }
0x10f: {  	v3 =	vld [tilespmem:s24+$0x7E00]  }
0x110: {  	v0 =	vadd.f32 v1, v0;
	v1 =	vmul.f32 v62, v10  }
0x111: {  	v63 =	vld [tilespmem:s24+$0x8000]  }
0x112: {  	v0 =	vadd.f32 v1, v0;
	v1 =	vmul.f32 v2, v11;
	_ =	sdelay $0x1  }
0x113: {  	v0 =	vadd.f32 v1, v0;
	v1 =	vmul.f32 v3, v12;
	_ =	sdelay $0x1  }
0x114: {  	v0 =	vadd.f32 v1, v0;
	v1 =	vmul.f32 v63, v13;
	_ =	sdelay $0x1  }
0x115: {  	v0 =	vadd.f32 v1, v0  }
0x116: {  	s1 =	sadd.s32 $0x10, s1  }
0x117: {  	[tilespmem:s1+$0x0] =	vst v0  }
0x118: {  	_ =	swait.ge [sflag:s3], $0xA00  }
0x119: {  	[sflag:s3] =	ssyncset.done $0x0  }
0x11a: {  	s25 =	simm.s32 $0x82A0;
	[sflag:s3] =	ssyncadd.s32 $0xFFFFF600  }
0x11b: {  	s24 =	simm.s32 $0x3820;
	v0 =	vld [tilespmem:s25+$0xFFFFFFE0]  }
0x11c: {  	s1 =	simm.s32 $0x0;
	v1 =	vld [tilespmem:s24+$0xFFFFFBE0]  }
0x11d: {  	s28 =	sand.u32 $0x1C0, s1  }
0x11e: {  	v2 =	vld [tilespmem:s28+$0x3600];
	_ =	sdelay $0x1  }
0x11f: {  	v3 =	vld [tilespmem:s28+$0x3800]  }
0x120: {  	v0 =	vadd.f32 v1, v0  }
0x121: {  	v1 =	vld [tilespmem:s28+$0x3A00]  }
0x122: {  	v0 =	vadd.f32 v2, v0  }
0x123: {  	v2 =	vld [tilespmem:s28+$0x3C00]  }
0x124: {  	v0 =	vadd.f32 v3, v0;
	_ =	sdelay $0x1  }
0x125: {  	v0 =	vadd.f32 v1, v0;
	_ =	sdelay $0x1  }
0x126: {  	v0 =	vadd.f32 v2, v0;
	_ =	sdelay $0x1  }
0x127: {  	[tilespmem:s25+$0xFFFFFFE0] =	vst v0;
	v0 =	vld [tilespmem:s25+$0xFFFFFFF0]  }
0x128: {  	v1 =	vld [tilespmem:s24+$0xFFFFFBF0];
	_ =	sdelay $0x1  }
0x129: {  	v2 =	vld [tilespmem:s24+$0xFFFFFDF0];
	_ =	sdelay $0x1  }
0x12a: {  	v3 =	vld [tilespmem:s24+$0xFFFFFFF0]  }
0x12b: {  	v0 =	vadd.f32 v1, v0  }
0x12c: {  	v1 =	vld [tilespmem:s24+$0x1F0]  }
0x12d: {  	v0 =	vadd.f32 v2, v0  }
0x12e: {  	v2 =	vld [tilespmem:s24+$0x3F0]  }
0x12f: {  	v0 =	vadd.f32 v3, v0;
	_ =	sdelay $0x1  }
0x130: {  	v0 =	vadd.f32 v1, v0;
	_ =	sdelay $0x1  }
0x131: {  	v0 =	vadd.f32 v2, v0;
	_ =	sdelay $0x1  }
0x132: {  	[tilespmem:s25+$0xFFFFFFF0] =	vst v0;
	v0 =	vld [tilespmem:s25+$0x0]  }
0x133: {  	v1 =	vld [tilespmem:s24+$0xFFFFFC00];
	_ =	sdelay $0x1  }
0x134: {  	v2 =	vld [tilespmem:s24+$0xFFFFFE00];
	_ =	sdelay $0x1  }
0x135: {  	v3 =	vld [tilespmem:s24+$0x0]  }
0x136: {  	v0 =	vadd.f32 v1, v0  }
0x137: {  	v1 =	vld [tilespmem:s24+$0x200]  }
0x138: {  	v0 =	vadd.f32 v2, v0  }
0x139: {  	v2 =	vld [tilespmem:s24+$0x400]  }
0x13a: {  	v0 =	vadd.f32 v3, v0;
	_ =	sdelay $0x1  }
0x13b: {  	v0 =	vadd.f32 v1, v0;
	_ =	sdelay $0x1  }
0x13c: {  	v0 =	vadd.f32 v2, v0;
	_ =	sdelay $0x1  }
0x13d: {  	[tilespmem:s25+$0x0] =	vst v0;
	v0 =	vld [tilespmem:s25+$0x10]  }
0x13e: {  	v1 =	vld [tilespmem:s24+$0xFFFFFC10];
	_ =	sdelay $0x1  }
0x13f: {  	v2 =	vld [tilespmem:s24+$0xFFFFFE10];
	_ =	sdelay $0x1  }
0x140: {  	v3 =	vld [tilespmem:s24+$0x10]  }
0x141: {  	v0 =	vadd.f32 v1, v0  }
0x142: {  	v1 =	vld [tilespmem:s24+$0x210]  }
0x143: {  	v0 =	vadd.f32 v2, v0  }
0x144: {  	v2 =	vld [tilespmem:s24+$0x410]  }
0x145: {  	v0 =	vadd.f32 v3, v0;
	_ =	sdelay $0x1  }
0x146: {  	v0 =	vadd.f32 v1, v0;
	_ =	sdelay $0x1  }
0x147: {  	v0 =	vadd.f32 v2, v0  }
0x148: {  	s31 =	simm.s32 $0x82E0;
	s28 =	simm.s32 $0x0  }
.LBB2_6:
0x149: {  	v1 =	vld [tilespmem:s31+$0xFFFFFFE0];
	[tilespmem:s25+$0x10] =	vst v0;
	s24 =	sadd.s32 $0x40, s24;
	s1 =	sadd.s32 $0x40, s1;
	s25 =	smov.u32 s31  }
0x14a: {  	s28 =	sadd.s32 $0x4, s28;
	v0 =	vld [tilespmem:s24+$0xFFFFFBE0];
	s8 =	sand.u32 $0x1C0, s1  }
0x14b: {  	p0 =	slt.u32 s28, $0x1C;
	v2 =	vld [tilespmem:s8+$0x3600]  }
0x14c: {  	v3 =	vld [tilespmem:s8+$0x3800]  }
0x14d: {  	v4 =	vld [tilespmem:s8+$0x3A00]  }
0x14e: {  	v5 =	vld [tilespmem:s8+$0x3C00]  }
0x14f: {  	v0 =	vadd.f32 v0, v1;
	_ =	sdelay $0x1  }
0x150: {  	v0 =	vadd.f32 v2, v0;
	_ =	sdelay $0x1  }
0x151: {  	v0 =	vadd.f32 v3, v0;
	_ =	sdelay $0x1  }
0x152: {  	v0 =	vadd.f32 v4, v0;
	_ =	sdelay $0x1  }
0x153: {  	v0 =	vadd.f32 v5, v0;
	_ =	sdelay $0x1  }
0x154: {  	[tilespmem:s31+$0xFFFFFFE0] =	vst v0;
	v0 =	vld [tilespmem:s31+$0xFFFFFFF0]  }
0x155: {  	v1 =	vld [tilespmem:s24+$0xFFFFFBF0];
	_ =	sdelay $0x1  }
0x156: {  	v2 =	vld [tilespmem:s24+$0xFFFFFDF0];
	_ =	sdelay $0x1  }
0x157: {  	v3 =	vld [tilespmem:s24+$0xFFFFFFF0]  }
0x158: {  	v0 =	vadd.f32 v1, v0  }
0x159: {  	v1 =	vld [tilespmem:s24+$0x1F0]  }
0x15a: {  	v0 =	vadd.f32 v2, v0  }
0x15b: {  	v2 =	vld [tilespmem:s24+$0x3F0]  }
0x15c: {  	v0 =	vadd.f32 v3, v0;
	_ =	sdelay $0x1  }
0x15d: {  	v0 =	vadd.f32 v1, v0;
	_ =	sdelay $0x1  }
0x15e: {  	v0 =	vadd.f32 v2, v0;
	_ =	sdelay $0x1  }
0x15f: {  	[tilespmem:s31+$0xFFFFFFF0] =	vst v0;
	v0 =	vld [tilespmem:s31+$0x0]  }
0x160: {  	v1 =	vld [tilespmem:s24+$0xFFFFFC00];
	_ =	sdelay $0x1  }
0x161: {  	v2 =	vld [tilespmem:s24+$0xFFFFFE00];
	_ =	sdelay $0x1  }
0x162: {  	v3 =	vld [tilespmem:s24+$0x0]  }
0x163: {  	v0 =	vadd.f32 v1, v0  }
0x164: {  	v1 =	vld [tilespmem:s24+$0x200]  }
0x165: {  	v0 =	vadd.f32 v2, v0  }
0x166: {  	v2 =	vld [tilespmem:s24+$0x400]  }
0x167: {  	v0 =	vadd.f32 v3, v0;
	_ =	sdelay $0x1  }
0x168: {  	v0 =	vadd.f32 v1, v0;
	_ =	sdelay $0x1  }
0x169: {  	v0 =	vadd.f32 v2, v0;
	_ =	sdelay $0x1  }
0x16a: {  	[tilespmem:s31+$0x0] =	vst v0;
	v0 =	vld [tilespmem:s31+$0x10]  }
0x16b: {  	v1 =	vld [tilespmem:s24+$0xFFFFFC10]  }
0x16c: {  	v2 =	vld [tilespmem:s24+$0xFFFFFE10]  }
0x16d: {  	v3 =	vld [tilespmem:s24+$0x10]  }
0x16e: {  	v4 =	vld [tilespmem:s24+$0x210]  }
0x16f: {  	v5 =	vld [tilespmem:s24+$0x410]  }
0x170: {  	v0 =	vadd.f32 v1, v0;
	_ =	sdelay $0x1  }
0x171: {  	v0 =	vadd.f32 v2, v0;
	_ =	sdelay $0x1  }
0x172: {  	v0 =	vadd.f32 v3, v0  }
.Ltmp2:
0x173: {  	(pc) =	sbr.rel @p0 .LBB2_6-.Ltmp2, $3  }
0x174: {  	v0 =	vadd.f32 v4, v0;
	_ =	sdelay $0x1  }
0x175: {  	v0 =	vadd.f32 v5, v0  }
0x176: {  	s31 =	sadd.s32 $0x40, s31  }
0x177: {  	[tilespmem:s25+$0x10] =	vst v0  }
0x178: {  	_ =	swait.ge [sflag:s3], $0x1000  }
0x179: {  	[sflag:s3] =	ssyncset.done $0x0  }
0x17a: {  	s28 =	simm.s32 $0x82A0;
	s1 =	simm.s32 $0x0;
	[sflag:s3] =	ssyncadd.s32 $0xFFFFF000  }
0x17b: {  	s1 =	sand.u32 $0x1C0, s1;
	v0 =	vld [tilespmem:s28+$0xFFFFFFE0]  }
0x17c: {  	v1 =	vld [tilespmem:s1+$0x3E00];
	_ =	sdelay $0x1  }
0x17d: {  	v2 =	vld [tilespmem:s1+$0x4000];
	_ =	sdelay $0x1  }
0x17e: {  	v3 =	vld [tilespmem:s1+$0x4200]  }
0x17f: {  	v0 =	vadd.f32 v1, v0  }
0x180: {  	v1 =	vld [tilespmem:s1+$0x4400]  }
0x181: {  	v0 =	vadd.f32 v2, v0  }
0x182: {  	v2 =	vld [tilespmem:s1+$0x4600]  }
0x183: {  	v0 =	vadd.f32 v3, v0  }
0x184: {  	v3 =	vld [tilespmem:s1+$0x4800]  }
0x185: {  	v0 =	vadd.f32 v1, v0  }
0x186: {  	v1 =	vld [tilespmem:s1+$0x4A00]  }
0x187: {  	v0 =	vadd.f32 v2, v0  }
0x188: {  	v2 =	vld [tilespmem:s1+$0x4C00]  }
0x189: {  	v0 =	vadd.f32 v3, v0;
	_ =	sdelay $0x1  }
0x18a: {  	v0 =	vadd.f32 v1, v0;
	_ =	sdelay $0x1  }
0x18b: {  	v0 =	vadd.f32 v2, v0;
	_ =	sdelay $0x1  }
0x18c: {  	s24 =	simm.s32 $0x4020;
	[tilespmem:s28+$0xFFFFFFE0] =	vst v0;
	v0 =	vld [tilespmem:s28+$0xFFFFFFF0]  }
0x18d: {  	v1 =	vld [tilespmem:s24+$0xFFFFFDF0];
	_ =	sdelay $0x1  }
0x18e: {  	v2 =	vld [tilespmem:s24+$0xFFFFFFF0];
	_ =	sdelay $0x1  }
0x18f: {  	v3 =	vld [tilespmem:s24+$0x1F0]  }
0x190: {  	v0 =	vadd.f32 v1, v0  }
0x191: {  	v1 =	vld [tilespmem:s24+$0x3F0]  }
0x192: {  	v0 =	vadd.f32 v2, v0  }
0x193: {  	v2 =	vld [tilespmem:s24+$0x5F0]  }
0x194: {  	v0 =	vadd.f32 v3, v0  }
0x195: {  	v3 =	vld [tilespmem:s24+$0x7F0]  }
0x196: {  	v0 =	vadd.f32 v1, v0  }
0x197: {  	v1 =	vld [tilespmem:s24+$0x9F0]  }
0x198: {  	v0 =	vadd.f32 v2, v0  }
0x199: {  	v2 =	vld [tilespmem:s24+$0xBF0]  }
0x19a: {  	v0 =	vadd.f32 v3, v0;
	_ =	sdelay $0x1  }
0x19b: {  	v0 =	vadd.f32 v1, v0;
	_ =	sdelay $0x1  }
0x19c: {  	v0 =	vadd.f32 v2, v0;
	_ =	sdelay $0x1  }
0x19d: {  	[tilespmem:s28+$0xFFFFFFF0] =	vst v0;
	v0 =	vld [tilespmem:s28+$0x0]  }
0x19e: {  	v1 =	vld [tilespmem:s24+$0xFFFFFE00];
	_ =	sdelay $0x1  }
0x19f: {  	v2 =	vld [tilespmem:s24+$0x0];
	_ =	sdelay $0x1  }
0x1a0: {  	v3 =	vld [tilespmem:s24+$0x200]  }
0x1a1: {  	v0 =	vadd.f32 v1, v0  }
0x1a2: {  	v1 =	vld [tilespmem:s24+$0x400]  }
0x1a3: {  	v0 =	vadd.f32 v2, v0  }
0x1a4: {  	v2 =	vld [tilespmem:s24+$0x600]  }
0x1a5: {  	v0 =	vadd.f32 v3, v0  }
0x1a6: {  	v3 =	vld [tilespmem:s24+$0x800]  }
0x1a7: {  	v0 =	vadd.f32 v1, v0  }
0x1a8: {  	v1 =	vld [tilespmem:s24+$0xA00]  }
0x1a9: {  	v0 =	vadd.f32 v2, v0  }
0x1aa: {  	v2 =	vld [tilespmem:s24+$0xC00]  }
0x1ab: {  	v0 =	vadd.f32 v3, v0;
	_ =	sdelay $0x1  }
0x1ac: {  	v0 =	vadd.f32 v1, v0;
	_ =	sdelay $0x1  }
0x1ad: {  	v0 =	vadd.f32 v2, v0;
	_ =	sdelay $0x1  }
0x1ae: {  	[tilespmem:s28+$0x0] =	vst v0;
	v0 =	vld [tilespmem:s28+$0x10]  }
0x1af: {  	v1 =	vld [tilespmem:s24+$0xFFFFFE10];
	_ =	sdelay $0x1  }
0x1b0: {  	v2 =	vld [tilespmem:s24+$0x10];
	_ =	sdelay $0x1  }
0x1b1: {  	v3 =	vld [tilespmem:s24+$0x210]  }
0x1b2: {  	v0 =	vadd.f32 v1, v0  }
0x1b3: {  	v1 =	vld [tilespmem:s24+$0x410]  }
0x1b4: {  	v0 =	vadd.f32 v2, v0  }
0x1b5: {  	v2 =	vld [tilespmem:s24+$0x610]  }
0x1b6: {  	v0 =	vadd.f32 v3, v0  }
0x1b7: {  	v3 =	vld [tilespmem:s24+$0x810]  }
0x1b8: {  	v0 =	vadd.f32 v1, v0  }
0x1b9: {  	v1 =	vld [tilespmem:s24+$0xA10]  }
0x1ba: {  	v0 =	vadd.f32 v2, v0  }
0x1bb: {  	v2 =	vld [tilespmem:s24+$0xC10]  }
0x1bc: {  	v0 =	vadd.f32 v3, v0;
	_ =	sdelay $0x1  }
0x1bd: {  	v0 =	vadd.f32 v1, v0;
	_ =	sdelay $0x1  }
0x1be: {  	v0 =	vadd.f32 v2, v0  }
0x1bf: {  	s31 =	simm.s32 $0x4;
	s25 =	simm.s32 $0x82E0;
	s1 =	simm.s32 $0x40  }
.LBB2_8:
0x1c0: {  	s31 =	sadd.s32 $0x4, s31;
	v1 =	vld [tilespmem:s25+$0xFFFFFFE0];
	s8 =	sand.u32 $0x1C0, s1;
	[tilespmem:s28+$0x10] =	vst v0;
	s24 =	sadd.s32 $0x40, s24  }
0x1c1: {  	s28 =	smov.u32 s25;
	p0 =	slt.u32 s31, $0x1C;
	v0 =	vld [tilespmem:s8+$0x3E00];
	_ =	sdelay $0x1  }
0x1c2: {  	v2 =	vld [tilespmem:s8+$0x4000];
	_ =	sdelay $0x1  }
0x1c3: {  	v3 =	vld [tilespmem:s8+$0x4200]  }
0x1c4: {  	v0 =	vadd.f32 v0, v1  }
0x1c5: {  	v1 =	vld [tilespmem:s8+$0x4400]  }
0x1c6: {  	v0 =	vadd.f32 v2, v0  }
0x1c7: {  	v2 =	vld [tilespmem:s8+$0x4600]  }
0x1c8: {  	v0 =	vadd.f32 v3, v0  }
0x1c9: {  	v3 =	vld [tilespmem:s8+$0x4800]  }
0x1ca: {  	v0 =	vadd.f32 v1, v0  }
0x1cb: {  	v1 =	vld [tilespmem:s8+$0x4A00]  }
0x1cc: {  	v0 =	vadd.f32 v2, v0  }
0x1cd: {  	v2 =	vld [tilespmem:s8+$0x4C00]  }
0x1ce: {  	v0 =	vadd.f32 v3, v0;
	_ =	sdelay $0x1  }
0x1cf: {  	v0 =	vadd.f32 v1, v0;
	_ =	sdelay $0x1  }
0x1d0: {  	v0 =	vadd.f32 v2, v0;
	_ =	sdelay $0x1  }
0x1d1: {  	[tilespmem:s25+$0xFFFFFFE0] =	vst v0;
	v0 =	vld [tilespmem:s25+$0xFFFFFFF0]  }
0x1d2: {  	v1 =	vld [tilespmem:s24+$0xFFFFFDF0];
	_ =	sdelay $0x1  }
0x1d3: {  	v2 =	vld [tilespmem:s24+$0xFFFFFFF0];
	_ =	sdelay $0x1  }
0x1d4: {  	v3 =	vld [tilespmem:s24+$0x1F0]  }
0x1d5: {  	v0 =	vadd.f32 v1, v0  }
0x1d6: {  	v1 =	vld [tilespmem:s24+$0x3F0]  }
0x1d7: {  	v0 =	vadd.f32 v2, v0  }
0x1d8: {  	v2 =	vld [tilespmem:s24+$0x5F0]  }
0x1d9: {  	v0 =	vadd.f32 v3, v0  }
0x1da: {  	v3 =	vld [tilespmem:s24+$0x7F0]  }
0x1db: {  	v0 =	vadd.f32 v1, v0  }
0x1dc: {  	v1 =	vld [tilespmem:s24+$0x9F0]  }
0x1dd: {  	v0 =	vadd.f32 v2, v0  }
0x1de: {  	v2 =	vld [tilespmem:s24+$0xBF0]  }
0x1df: {  	v0 =	vadd.f32 v3, v0;
	_ =	sdelay $0x1  }
0x1e0: {  	v0 =	vadd.f32 v1, v0;
	_ =	sdelay $0x1  }
0x1e1: {  	v0 =	vadd.f32 v2, v0;
	_ =	sdelay $0x1  }
0x1e2: {  	[tilespmem:s25+$0xFFFFFFF0] =	vst v0;
	v0 =	vld [tilespmem:s25+$0x0]  }
0x1e3: {  	v1 =	vld [tilespmem:s24+$0xFFFFFE00];
	_ =	sdelay $0x1  }
0x1e4: {  	v2 =	vld [tilespmem:s24+$0x0];
	_ =	sdelay $0x1  }
0x1e5: {  	v3 =	vld [tilespmem:s24+$0x200]  }
0x1e6: {  	v0 =	vadd.f32 v1, v0  }
0x1e7: {  	v1 =	vld [tilespmem:s24+$0x400]  }
0x1e8: {  	v0 =	vadd.f32 v2, v0  }
0x1e9: {  	v2 =	vld [tilespmem:s24+$0x600]  }
0x1ea: {  	v0 =	vadd.f32 v3, v0  }
0x1eb: {  	v3 =	vld [tilespmem:s24+$0x800]  }
0x1ec: {  	v0 =	vadd.f32 v1, v0  }
0x1ed: {  	v1 =	vld [tilespmem:s24+$0xA00]  }
0x1ee: {  	v0 =	vadd.f32 v2, v0  }
0x1ef: {  	v2 =	vld [tilespmem:s24+$0xC00]  }
0x1f0: {  	v0 =	vadd.f32 v3, v0;
	_ =	sdelay $0x1  }
0x1f1: {  	v0 =	vadd.f32 v1, v0;
	_ =	sdelay $0x1  }
0x1f2: {  	v0 =	vadd.f32 v2, v0;
	_ =	sdelay $0x1  }
0x1f3: {  	[tilespmem:s25+$0x0] =	vst v0;
	v0 =	vld [tilespmem:s25+$0x10]  }
0x1f4: {  	v1 =	vld [tilespmem:s24+$0xFFFFFE10]  }
0x1f5: {  	v2 =	vld [tilespmem:s24+$0x10]  }
0x1f6: {  	v3 =	vld [tilespmem:s24+$0x210]  }
0x1f7: {  	v4 =	vld [tilespmem:s24+$0x410]  }
0x1f8: {  	v5 =	vld [tilespmem:s24+$0x610]  }
0x1f9: {  	v0 =	vadd.f32 v1, v0;
	v1 =	vld [tilespmem:s24+$0x810]  }
0x1fa: {  	v6 =	vld [tilespmem:s24+$0xA10]  }
0x1fb: {  	v0 =	vadd.f32 v2, v0;
	v2 =	vld [tilespmem:s24+$0xC10];
	_ =	sdelay $0x1  }
0x1fc: {  	v0 =	vadd.f32 v3, v0;
	_ =	sdelay $0x1  }
0x1fd: {  	v0 =	vadd.f32 v4, v0;
	_ =	sdelay $0x1  }
0x1fe: {  	v0 =	vadd.f32 v5, v0;
	_ =	sdelay $0x1  }
0x1ff: {  	v0 =	vadd.f32 v1, v0  }
.Ltmp3:
0x200: {  	(pc) =	sbr.rel @p0 .LBB2_8-.Ltmp3, $3  }
0x201: {  	v0 =	vadd.f32 v6, v0;
	_ =	sdelay $0x1  }
0x202: {  	v0 =	vadd.f32 v2, v0  }
0x203: {  	s1 =	sadd.s32 $0x40, s1;
	s25 =	sadd.s32 $0x40, s25  }
0x204: {  	v1 =	vld [tilespmem:s25+$0xFFFFFFE0];
	s1 =	sand.u32 $0x1C0, s1;
	[tilespmem:s28+$0x10] =	vst v0  }
0x205: {  	v0 =	vld [tilespmem:s1+$0x3E00];
	_ =	sdelay $0x1  }
0x206: {  	v2 =	vld [tilespmem:s1+$0x4000];
	_ =	sdelay $0x1  }
0x207: {  	v3 =	vld [tilespmem:s1+$0x4200]  }
0x208: {  	v0 =	vadd.f32 v0, v1  }
0x209: {  	v1 =	vld [tilespmem:s1+$0x4400]  }
0x20a: {  	v0 =	vadd.f32 v2, v0  }
0x20b: {  	v2 =	vld [tilespmem:s1+$0x4600]  }
0x20c: {  	v0 =	vadd.f32 v3, v0  }
0x20d: {  	v3 =	vld [tilespmem:s1+$0x4800]  }
0x20e: {  	v0 =	vadd.f32 v1, v0  }
0x20f: {  	v1 =	vld [tilespmem:s1+$0x4A00]  }
0x210: {  	v0 =	vadd.f32 v2, v0  }
0x211: {  	v2 =	vld [tilespmem:s1+$0x4C00]  }
0x212: {  	v0 =	vadd.f32 v3, v0;
	_ =	sdelay $0x1  }
0x213: {  	v0 =	vadd.f32 v1, v0;
	_ =	sdelay $0x1  }
0x214: {  	v0 =	vadd.f32 v2, v0;
	_ =	sdelay $0x1  }
0x215: {  	s24 =	sadd.s32 $0x40, s24;
	[tilespmem:s25+$0xFFFFFFE0] =	vst v0;
	v0 =	vld [tilespmem:s25+$0xFFFFFFF0]  }
0x216: {  	v1 =	vld [tilespmem:s24+$0xFFFFFDF0];
	_ =	sdelay $0x1  }
0x217: {  	v2 =	vld [tilespmem:s24+$0xFFFFFFF0];
	_ =	sdelay $0x1  }
0x218: {  	v3 =	vld [tilespmem:s24+$0x1F0]  }
0x219: {  	v0 =	vadd.f32 v1, v0  }
0x21a: {  	v1 =	vld [tilespmem:s24+$0x3F0]  }
0x21b: {  	v0 =	vadd.f32 v2, v0  }
0x21c: {  	v2 =	vld [tilespmem:s24+$0x5F0]  }
0x21d: {  	v0 =	vadd.f32 v3, v0  }
0x21e: {  	v3 =	vld [tilespmem:s24+$0x7F0]  }
0x21f: {  	v0 =	vadd.f32 v1, v0  }
0x220: {  	v1 =	vld [tilespmem:s24+$0x9F0]  }
0x221: {  	v0 =	vadd.f32 v2, v0  }
0x222: {  	v2 =	vld [tilespmem:s24+$0xBF0]  }
0x223: {  	v0 =	vadd.f32 v3, v0;
	_ =	sdelay $0x1  }
0x224: {  	v0 =	vadd.f32 v1, v0;
	_ =	sdelay $0x1  }
0x225: {  	v0 =	vadd.f32 v2, v0;
	_ =	sdelay $0x1  }
0x226: {  	[tilespmem:s25+$0xFFFFFFF0] =	vst v0;
	v0 =	vld [tilespmem:s25+$0x0]  }
0x227: {  	v1 =	vld [tilespmem:s24+$0xFFFFFE00];
	_ =	sdelay $0x1  }
0x228: {  	v2 =	vld [tilespmem:s24+$0x0];
	_ =	sdelay $0x1  }
0x229: {  	v3 =	vld [tilespmem:s24+$0x200]  }
0x22a: {  	v0 =	vadd.f32 v1, v0  }
0x22b: {  	v1 =	vld [tilespmem:s24+$0x400]  }
0x22c: {  	v0 =	vadd.f32 v2, v0  }
0x22d: {  	v2 =	vld [tilespmem:s24+$0x600]  }
0x22e: {  	v0 =	vadd.f32 v3, v0  }
0x22f: {  	v3 =	vld [tilespmem:s24+$0x800]  }
0x230: {  	v0 =	vadd.f32 v1, v0  }
0x231: {  	v1 =	vld [tilespmem:s24+$0xA00]  }
0x232: {  	v0 =	vadd.f32 v2, v0  }
0x233: {  	v2 =	vld [tilespmem:s24+$0xC00]  }
0x234: {  	v0 =	vadd.f32 v3, v0;
	_ =	sdelay $0x1  }
0x235: {  	v0 =	vadd.f32 v1, v0;
	_ =	sdelay $0x1  }
0x236: {  	v0 =	vadd.f32 v2, v0;
	_ =	sdelay $0x1  }
0x237: {  	[tilespmem:s25+$0x0] =	vst v0;
	v0 =	vld [tilespmem:s25+$0x10]  }
0x238: {  	v1 =	vld [tilespmem:s24+$0xFFFFFE10];
	_ =	sdelay $0x1  }
0x239: {  	v2 =	vld [tilespmem:s24+$0x10];
	_ =	sdelay $0x1  }
0x23a: {  	v3 =	vld [tilespmem:s24+$0x210]  }
0x23b: {  	v0 =	vadd.f32 v1, v0  }
0x23c: {  	v1 =	vld [tilespmem:s24+$0x410]  }
0x23d: {  	v0 =	vadd.f32 v2, v0  }
0x23e: {  	v2 =	vld [tilespmem:s24+$0x610]  }
0x23f: {  	v0 =	vadd.f32 v3, v0  }
0x240: {  	v3 =	vld [tilespmem:s24+$0x810]  }
0x241: {  	v0 =	vadd.f32 v1, v0  }
0x242: {  	v1 =	vld [tilespmem:s24+$0xA10]  }
0x243: {  	v0 =	vadd.f32 v2, v0  }
0x244: {  	v2 =	vld [tilespmem:s24+$0xC10]  }
0x245: {  	v0 =	vadd.f32 v3, v0;
	_ =	sdelay $0x1  }
0x246: {  	v0 =	vadd.f32 v1, v0;
	_ =	sdelay $0x1  }
0x247: {  	v0 =	vadd.f32 v2, v0;
	_ =	sdelay $0x1  }
0x248: {  	[tilespmem:s25+$0x10] =	vst v0  }
0x249: {  	_ =	swait.ge [sflag:s3], $0xE00  }
0x24a: {  	[sflag:s3] =	ssyncset.done $0x0  }
0x24b: {  	s24 =	simm.s32 $0x82A0;
	s25 =	simm.s32 $0x0;
	[sflag:s3] =	ssyncadd.s32 $0xFFFFF200  }
0x24c: {  	s1 =	sand.u32 $0x1C0, s25;
	v0 =	vld [tilespmem:s24+$0xFFFFFFE0]  }
0x24d: {  	v1 =	vld [tilespmem:s1+$0x4E00];
	_ =	sdelay $0x1  }
0x24e: {  	v2 =	vld [tilespmem:s1+$0x5000];
	_ =	sdelay $0x1  }
0x24f: {  	v3 =	vld [tilespmem:s1+$0x5200]  }
0x250: {  	v0 =	vadd.f32 v1, v0  }
0x251: {  	v1 =	vld [tilespmem:s1+$0x5400]  }
0x252: {  	v0 =	vadd.f32 v2, v0  }
0x253: {  	v2 =	vld [tilespmem:s1+$0x5600]  }
0x254: {  	v0 =	vadd.f32 v3, v0  }
0x255: {  	v3 =	vld [tilespmem:s1+$0x5800]  }
0x256: {  	v0 =	vadd.f32 v1, v0  }
0x257: {  	v1 =	vld [tilespmem:s1+$0x5A00]  }
0x258: {  	v0 =	vadd.f32 v2, v0;
	_ =	sdelay $0x1  }
0x259: {  	v0 =	vadd.f32 v3, v0;
	_ =	sdelay $0x1  }
0x25a: {  	v0 =	vadd.f32 v1, v0;
	_ =	sdelay $0x1  }
0x25b: {  	s25 =	simm.s32 $0x5A30;
	[tilespmem:s24+$0xFFFFFFE0] =	vst v0;
	v0 =	vld [tilespmem:s24+$0xFFFFFFF0]  }
0x25c: {  	v1 =	vld [tilespmem:s25+$0xFFFFF3E0];
	_ =	sdelay $0x1  }
0x25d: {  	v2 =	vld [tilespmem:s25+$0xFFFFF5E0];
	_ =	sdelay $0x1  }
0x25e: {  	v3 =	vld [tilespmem:s25+$0xFFFFF7E0]  }
0x25f: {  	v0 =	vadd.f32 v1, v0  }
0x260: {  	v1 =	vld [tilespmem:s25+$0xFFFFF9E0]  }
0x261: {  	v0 =	vadd.f32 v2, v0  }
0x262: {  	v2 =	vld [tilespmem:s25+$0xFFFFFBE0]  }
0x263: {  	v0 =	vadd.f32 v3, v0  }
0x264: {  	v3 =	vld [tilespmem:s25+$0xFFFFFDE0]  }
0x265: {  	v0 =	vadd.f32 v1, v0  }
0x266: {  	v1 =	vld [tilespmem:s25+$0xFFFFFFE0]  }
0x267: {  	v0 =	vadd.f32 v2, v0;
	_ =	sdelay $0x1  }
0x268: {  	v0 =	vadd.f32 v3, v0;
	_ =	sdelay $0x1  }
0x269: {  	v0 =	vadd.f32 v1, v0;
	_ =	sdelay $0x1  }
0x26a: {  	[tilespmem:s24+$0xFFFFFFF0] =	vst v0;
	v0 =	vld [tilespmem:s24+$0x0]  }
0x26b: {  	v1 =	vld [tilespmem:s25+$0xFFFFF3F0];
	_ =	sdelay $0x1  }
0x26c: {  	v2 =	vld [tilespmem:s25+$0xFFFFF5F0];
	_ =	sdelay $0x1  }
0x26d: {  	v3 =	vld [tilespmem:s25+$0xFFFFF7F0]  }
0x26e: {  	v0 =	vadd.f32 v1, v0  }
0x26f: {  	v1 =	vld [tilespmem:s25+$0xFFFFF9F0]  }
0x270: {  	v0 =	vadd.f32 v2, v0  }
0x271: {  	v2 =	vld [tilespmem:s25+$0xFFFFFBF0]  }
0x272: {  	v0 =	vadd.f32 v3, v0  }
0x273: {  	v3 =	vld [tilespmem:s25+$0xFFFFFDF0]  }
0x274: {  	v0 =	vadd.f32 v1, v0  }
0x275: {  	v1 =	vld [tilespmem:s25+$0xFFFFFFF0]  }
0x276: {  	v0 =	vadd.f32 v2, v0;
	_ =	sdelay $0x1  }
0x277: {  	v0 =	vadd.f32 v3, v0;
	_ =	sdelay $0x1  }
0x278: {  	v0 =	vadd.f32 v1, v0;
	_ =	sdelay $0x1  }
0x279: {  	[tilespmem:s24+$0x0] =	vst v0;
	v0 =	vld [tilespmem:s24+$0x10]  }
0x27a: {  	v1 =	vld [tilespmem:s25+$0xFFFFF400];
	_ =	sdelay $0x1  }
0x27b: {  	v2 =	vld [tilespmem:s25+$0xFFFFF600];
	_ =	sdelay $0x1  }
0x27c: {  	v3 =	vld [tilespmem:s25+$0xFFFFF800]  }
0x27d: {  	v0 =	vadd.f32 v1, v0  }
0x27e: {  	v1 =	vld [tilespmem:s25+$0xFFFFFA00]  }
0x27f: {  	v0 =	vadd.f32 v2, v0  }
0x280: {  	v2 =	vld [tilespmem:s25+$0xFFFFFC00]  }
0x281: {  	v0 =	vadd.f32 v3, v0  }
0x282: {  	v3 =	vld [tilespmem:s25+$0xFFFFFE00]  }
0x283: {  	v0 =	vadd.f32 v1, v0  }
0x284: {  	v1 =	vld [tilespmem:s25+$0x0]  }
0x285: {  	v0 =	vadd.f32 v2, v0;
	_ =	sdelay $0x1  }
0x286: {  	v0 =	vadd.f32 v3, v0;
	_ =	sdelay $0x1  }
0x287: {  	v0 =	vadd.f32 v1, v0  }
0x288: {  	s28 =	simm.s32 $0x82E0;
	s31 =	simm.s32 $0x40;
	s1 =	simm.s32 $0x0  }
.LBB2_10:
0x289: {  	v1 =	vld [tilespmem:s28+$0xFFFFFFE0];
	s8 =	sand.u32 $0x1C0, s31;
	s1 =	sadd.s32 $0x4, s1;
	[tilespmem:s24+$0x10] =	vst v0;
	s24 =	smov.u32 s28  }
0x28a: {  	v0 =	vld [tilespmem:s8+$0x4E00];
	p0 =	slt.u32 s1, $0x1C  }
0x28b: {  	v2 =	vld [tilespmem:s8+$0x5000]  }
0x28c: {  	v3 =	vld [tilespmem:s8+$0x5200]  }
0x28d: {  	v4 =	vld [tilespmem:s8+$0x5400]  }
0x28e: {  	v5 =	vld [tilespmem:s8+$0x5600]  }
0x28f: {  	v0 =	vadd.f32 v0, v1;
	v1 =	vld [tilespmem:s8+$0x5800]  }
0x290: {  	v6 =	vld [tilespmem:s8+$0x5A00]  }
0x291: {  	v0 =	vadd.f32 v2, v0;
	_ =	sdelay $0x1  }
0x292: {  	v0 =	vadd.f32 v3, v0;
	_ =	sdelay $0x1  }
0x293: {  	v0 =	vadd.f32 v4, v0;
	_ =	sdelay $0x1  }
0x294: {  	v0 =	vadd.f32 v5, v0;
	_ =	sdelay $0x1  }
0x295: {  	v0 =	vadd.f32 v1, v0;
	_ =	sdelay $0x1  }
0x296: {  	v0 =	vadd.f32 v6, v0;
	_ =	sdelay $0x1  }
0x297: {  	s25 =	sadd.s32 $0x40, s25;
	[tilespmem:s28+$0xFFFFFFE0] =	vst v0;
	v0 =	vld [tilespmem:s28+$0xFFFFFFF0]  }
0x298: {  	v1 =	vld [tilespmem:s25+$0xFFFFF3E0];
	_ =	sdelay $0x1  }
0x299: {  	v2 =	vld [tilespmem:s25+$0xFFFFF5E0];
	_ =	sdelay $0x1  }
0x29a: {  	v3 =	vld [tilespmem:s25+$0xFFFFF7E0]  }
0x29b: {  	v0 =	vadd.f32 v1, v0  }
0x29c: {  	v1 =	vld [tilespmem:s25+$0xFFFFF9E0]  }
0x29d: {  	v0 =	vadd.f32 v2, v0  }
0x29e: {  	v2 =	vld [tilespmem:s25+$0xFFFFFBE0]  }
0x29f: {  	v0 =	vadd.f32 v3, v0  }
0x2a0: {  	v3 =	vld [tilespmem:s25+$0xFFFFFDE0]  }
0x2a1: {  	v0 =	vadd.f32 v1, v0  }
0x2a2: {  	v1 =	vld [tilespmem:s25+$0xFFFFFFE0]  }
0x2a3: {  	v0 =	vadd.f32 v2, v0;
	_ =	sdelay $0x1  }
0x2a4: {  	v0 =	vadd.f32 v3, v0;
	_ =	sdelay $0x1  }
0x2a5: {  	v0 =	vadd.f32 v1, v0;
	_ =	sdelay $0x1  }
0x2a6: {  	[tilespmem:s28+$0xFFFFFFF0] =	vst v0;
	v0 =	vld [tilespmem:s28+$0x0]  }
0x2a7: {  	v1 =	vld [tilespmem:s25+$0xFFFFF3F0];
	_ =	sdelay $0x1  }
0x2a8: {  	v2 =	vld [tilespmem:s25+$0xFFFFF5F0];
	_ =	sdelay $0x1  }
0x2a9: {  	v3 =	vld [tilespmem:s25+$0xFFFFF7F0]  }
0x2aa: {  	v0 =	vadd.f32 v1, v0  }
0x2ab: {  	v1 =	vld [tilespmem:s25+$0xFFFFF9F0]  }
0x2ac: {  	v0 =	vadd.f32 v2, v0  }
0x2ad: {  	v2 =	vld [tilespmem:s25+$0xFFFFFBF0]  }
0x2ae: {  	v0 =	vadd.f32 v3, v0  }
0x2af: {  	v3 =	vld [tilespmem:s25+$0xFFFFFDF0]  }
0x2b0: {  	v0 =	vadd.f32 v1, v0  }
0x2b1: {  	v1 =	vld [tilespmem:s25+$0xFFFFFFF0]  }
0x2b2: {  	v0 =	vadd.f32 v2, v0;
	_ =	sdelay $0x1  }
0x2b3: {  	v0 =	vadd.f32 v3, v0;
	_ =	sdelay $0x1  }
0x2b4: {  	v0 =	vadd.f32 v1, v0;
	_ =	sdelay $0x1  }
0x2b5: {  	[tilespmem:s28+$0x0] =	vst v0;
	v0 =	vld [tilespmem:s28+$0x10]  }
0x2b6: {  	v1 =	vld [tilespmem:s25+$0xFFFFF400]  }
0x2b7: {  	v2 =	vld [tilespmem:s25+$0xFFFFF600]  }
0x2b8: {  	v3 =	vld [tilespmem:s25+$0xFFFFF800]  }
0x2b9: {  	v4 =	vld [tilespmem:s25+$0xFFFFFA00]  }
0x2ba: {  	v5 =	vld [tilespmem:s25+$0xFFFFFC00]  }
0x2bb: {  	v0 =	vadd.f32 v1, v0;
	v1 =	vld [tilespmem:s25+$0xFFFFFE00]  }
0x2bc: {  	v6 =	vld [tilespmem:s25+$0x0]  }
0x2bd: {  	v0 =	vadd.f32 v2, v0;
	_ =	sdelay $0x1  }
0x2be: {  	v0 =	vadd.f32 v3, v0;
	_ =	sdelay $0x1  }
0x2bf: {  	v0 =	vadd.f32 v4, v0;
	_ =	sdelay $0x1  }
0x2c0: {  	v0 =	vadd.f32 v5, v0  }
.Ltmp4:
0x2c1: {  	(pc) =	sbr.rel @p0 .LBB2_10-.Ltmp4, $3  }
0x2c2: {  	v0 =	vadd.f32 v1, v0;
	_ =	sdelay $0x1  }
0x2c3: {  	v0 =	vadd.f32 v6, v0  }
0x2c4: {  	s31 =	sadd.s32 $0x40, s31;
	s28 =	sadd.s32 $0x40, s28  }
0x2c5: {  	[tilespmem:s24+$0x10] =	vst v0  }
0x2c6: {  	_ =	swait.ge [sflag:s3], $0xC00  }
0x2c7: {  	[sflag:s3] =	ssyncset.done $0x0  }
0x2c8: {  	s24 =	simm.s32 $0x82A0;
	s1 =	simm.s32 $0x0;
	[sflag:s3] =	ssyncadd.s32 $0xFFFFF400  }
0x2c9: {  	s1 =	sand.u32 $0x1C0, s1;
	v0 =	vld [tilespmem:s24+$0xFFFFFFE0]  }
0x2ca: {  	v1 =	vld [tilespmem:s1+$0x5C00];
	_ =	sdelay $0x1  }
0x2cb: {  	v2 =	vld [tilespmem:s1+$0x5E00];
	_ =	sdelay $0x1  }
0x2cc: {  	v3 =	vld [tilespmem:s1+$0x6000]  }
0x2cd: {  	v0 =	vadd.f32 v1, v0  }
0x2ce: {  	v1 =	vld [tilespmem:s1+$0x6200]  }
0x2cf: {  	v0 =	vadd.f32 v2, v0  }
0x2d0: {  	v2 =	vld [tilespmem:s1+$0x6400]  }
0x2d1: {  	v0 =	vadd.f32 v3, v0  }
0x2d2: {  	v3 =	vld [tilespmem:s1+$0x6600]  }
0x2d3: {  	v0 =	vadd.f32 v1, v0;
	_ =	sdelay $0x1  }
0x2d4: {  	v0 =	vadd.f32 v2, v0;
	_ =	sdelay $0x1  }
0x2d5: {  	v0 =	vadd.f32 v3, v0;
	_ =	sdelay $0x1  }
0x2d6: {  	s25 =	simm.s32 $0x6630;
	[tilespmem:s24+$0xFFFFFFE0] =	vst v0;
	v0 =	vld [tilespmem:s24+$0xFFFFFFF0]  }
0x2d7: {  	v1 =	vld [tilespmem:s25+$0xFFFFF5E0];
	_ =	sdelay $0x1  }
0x2d8: {  	v2 =	vld [tilespmem:s25+$0xFFFFF7E0];
	_ =	sdelay $0x1  }
0x2d9: {  	v3 =	vld [tilespmem:s25+$0xFFFFF9E0]  }
0x2da: {  	v0 =	vadd.f32 v1, v0  }
0x2db: {  	v1 =	vld [tilespmem:s25+$0xFFFFFBE0]  }
0x2dc: {  	v0 =	vadd.f32 v2, v0  }
0x2dd: {  	v2 =	vld [tilespmem:s25+$0xFFFFFDE0]  }
0x2de: {  	v0 =	vadd.f32 v3, v0  }
0x2df: {  	v3 =	vld [tilespmem:s25+$0xFFFFFFE0]  }
0x2e0: {  	v0 =	vadd.f32 v1, v0;
	_ =	sdelay $0x1  }
0x2e1: {  	v0 =	vadd.f32 v2, v0;
	_ =	sdelay $0x1  }
0x2e2: {  	v0 =	vadd.f32 v3, v0;
	_ =	sdelay $0x1  }
0x2e3: {  	[tilespmem:s24+$0xFFFFFFF0] =	vst v0;
	v0 =	vld [tilespmem:s24+$0x0]  }
0x2e4: {  	v1 =	vld [tilespmem:s25+$0xFFFFF5F0];
	_ =	sdelay $0x1  }
0x2e5: {  	v2 =	vld [tilespmem:s25+$0xFFFFF7F0];
	_ =	sdelay $0x1  }
0x2e6: {  	v3 =	vld [tilespmem:s25+$0xFFFFF9F0]  }
0x2e7: {  	v0 =	vadd.f32 v1, v0  }
0x2e8: {  	v1 =	vld [tilespmem:s25+$0xFFFFFBF0]  }
0x2e9: {  	v0 =	vadd.f32 v2, v0  }
0x2ea: {  	v2 =	vld [tilespmem:s25+$0xFFFFFDF0]  }
0x2eb: {  	v0 =	vadd.f32 v3, v0  }
0x2ec: {  	v3 =	vld [tilespmem:s25+$0xFFFFFFF0]  }
0x2ed: {  	v0 =	vadd.f32 v1, v0;
	_ =	sdelay $0x1  }
0x2ee: {  	v0 =	vadd.f32 v2, v0;
	_ =	sdelay $0x1  }
0x2ef: {  	v0 =	vadd.f32 v3, v0;
	_ =	sdelay $0x1  }
0x2f0: {  	[tilespmem:s24+$0x0] =	vst v0;
	v0 =	vld [tilespmem:s24+$0x10]  }
0x2f1: {  	v1 =	vld [tilespmem:s25+$0xFFFFF600];
	_ =	sdelay $0x1  }
0x2f2: {  	v2 =	vld [tilespmem:s25+$0xFFFFF800];
	_ =	sdelay $0x1  }
0x2f3: {  	v3 =	vld [tilespmem:s25+$0xFFFFFA00]  }
0x2f4: {  	v0 =	vadd.f32 v1, v0  }
0x2f5: {  	v1 =	vld [tilespmem:s25+$0xFFFFFC00]  }
0x2f6: {  	v0 =	vadd.f32 v2, v0  }
0x2f7: {  	v2 =	vld [tilespmem:s25+$0xFFFFFE00]  }
0x2f8: {  	v0 =	vadd.f32 v3, v0  }
0x2f9: {  	v3 =	vld [tilespmem:s25+$0x0]  }
0x2fa: {  	v0 =	vadd.f32 v1, v0;
	_ =	sdelay $0x1  }
0x2fb: {  	v0 =	vadd.f32 v2, v0;
	_ =	sdelay $0x1  }
0x2fc: {  	v0 =	vadd.f32 v3, v0  }
0x2fd: {  	s28 =	simm.s32 $0x82E0;
	s31 =	simm.s32 $0x40;
	s1 =	simm.s32 $0x0  }
.LBB2_12:
0x2fe: {  	v1 =	vld [tilespmem:s28+$0xFFFFFFE0];
	s8 =	sand.u32 $0x1C0, s31;
	s1 =	sadd.s32 $0x4, s1;
	[tilespmem:s24+$0x10] =	vst v0;
	s24 =	smov.u32 s28  }
0x2ff: {  	v0 =	vld [tilespmem:s8+$0x5C00];
	p0 =	slt.u32 s1, $0x1C  }
0x300: {  	v2 =	vld [tilespmem:s8+$0x5E00]  }
0x301: {  	v3 =	vld [tilespmem:s8+$0x6000]  }
0x302: {  	v4 =	vld [tilespmem:s8+$0x6200]  }
0x303: {  	v5 =	vld [tilespmem:s8+$0x6400]  }
0x304: {  	v0 =	vadd.f32 v0, v1;
	v1 =	vld [tilespmem:s8+$0x6600];
	_ =	sdelay $0x1  }
0x305: {  	v0 =	vadd.f32 v2, v0;
	_ =	sdelay $0x1  }
0x306: {  	v0 =	vadd.f32 v3, v0;
	_ =	sdelay $0x1  }
0x307: {  	v0 =	vadd.f32 v4, v0;
	_ =	sdelay $0x1  }
0x308: {  	v0 =	vadd.f32 v5, v0;
	_ =	sdelay $0x1  }
0x309: {  	v0 =	vadd.f32 v1, v0;
	_ =	sdelay $0x1  }
0x30a: {  	s25 =	sadd.s32 $0x40, s25;
	[tilespmem:s28+$0xFFFFFFE0] =	vst v0;
	v0 =	vld [tilespmem:s28+$0xFFFFFFF0]  }
0x30b: {  	v1 =	vld [tilespmem:s25+$0xFFFFF5E0];
	_ =	sdelay $0x1  }
0x30c: {  	v2 =	vld [tilespmem:s25+$0xFFFFF7E0];
	_ =	sdelay $0x1  }
0x30d: {  	v3 =	vld [tilespmem:s25+$0xFFFFF9E0]  }
0x30e: {  	v0 =	vadd.f32 v1, v0  }
0x30f: {  	v1 =	vld [tilespmem:s25+$0xFFFFFBE0]  }
0x310: {  	v0 =	vadd.f32 v2, v0  }
0x311: {  	v2 =	vld [tilespmem:s25+$0xFFFFFDE0]  }
0x312: {  	v0 =	vadd.f32 v3, v0  }
0x313: {  	v3 =	vld [tilespmem:s25+$0xFFFFFFE0]  }
0x314: {  	v0 =	vadd.f32 v1, v0;
	_ =	sdelay $0x1  }
0x315: {  	v0 =	vadd.f32 v2, v0;
	_ =	sdelay $0x1  }
0x316: {  	v0 =	vadd.f32 v3, v0;
	_ =	sdelay $0x1  }
0x317: {  	[tilespmem:s28+$0xFFFFFFF0] =	vst v0;
	v0 =	vld [tilespmem:s28+$0x0]  }
0x318: {  	v1 =	vld [tilespmem:s25+$0xFFFFF5F0];
	_ =	sdelay $0x1  }
0x319: {  	v2 =	vld [tilespmem:s25+$0xFFFFF7F0];
	_ =	sdelay $0x1  }
0x31a: {  	v3 =	vld [tilespmem:s25+$0xFFFFF9F0]  }
0x31b: {  	v0 =	vadd.f32 v1, v0  }
0x31c: {  	v1 =	vld [tilespmem:s25+$0xFFFFFBF0]  }
0x31d: {  	v0 =	vadd.f32 v2, v0  }
0x31e: {  	v2 =	vld [tilespmem:s25+$0xFFFFFDF0]  }
0x31f: {  	v0 =	vadd.f32 v3, v0  }
0x320: {  	v3 =	vld [tilespmem:s25+$0xFFFFFFF0]  }
0x321: {  	v0 =	vadd.f32 v1, v0;
	_ =	sdelay $0x1  }
0x322: {  	v0 =	vadd.f32 v2, v0;
	_ =	sdelay $0x1  }
0x323: {  	v0 =	vadd.f32 v3, v0;
	_ =	sdelay $0x1  }
0x324: {  	[tilespmem:s28+$0x0] =	vst v0;
	v0 =	vld [tilespmem:s28+$0x10]  }
0x325: {  	v1 =	vld [tilespmem:s25+$0xFFFFF600]  }
0x326: {  	v2 =	vld [tilespmem:s25+$0xFFFFF800]  }
0x327: {  	v3 =	vld [tilespmem:s25+$0xFFFFFA00]  }
0x328: {  	v4 =	vld [tilespmem:s25+$0xFFFFFC00]  }
0x329: {  	v5 =	vld [tilespmem:s25+$0xFFFFFE00]  }
0x32a: {  	v0 =	vadd.f32 v1, v0;
	v1 =	vld [tilespmem:s25+$0x0];
	_ =	sdelay $0x1  }
0x32b: {  	v0 =	vadd.f32 v2, v0;
	_ =	sdelay $0x1  }
0x32c: {  	v0 =	vadd.f32 v3, v0;
	_ =	sdelay $0x1  }
0x32d: {  	v0 =	vadd.f32 v4, v0  }
.Ltmp5:
0x32e: {  	(pc) =	sbr.rel @p0 .LBB2_12-.Ltmp5, $3  }
0x32f: {  	v0 =	vadd.f32 v5, v0;
	_ =	sdelay $0x1  }
0x330: {  	v0 =	vadd.f32 v1, v0  }
0x331: {  	s31 =	sadd.s32 $0x40, s31;
	s28 =	sadd.s32 $0x40, s28  }
0x332: {  	s2 =	sadd.s32 $0x1, s2  }
0x333: {  	p0 =	sne.s32 s2, s9  }
.Ltmp6:
0x334: {  	[tilespmem:s24+$0x10] =	vst v0;
	s1 =	rddreg [dreg:$0x7];
	s8 =	simm.s32 $0x8280;
	(pc) =	sbr.rel @p0 .LBB2_1-.Ltmp6, $4  }
0x335: {  	[hbm4b:s1+s4] =	stream.linear.scatter [tilespmem:s8], [sflag:$0x4], $0x200, $0x38;
	[tilespmem:$0x8480] =	vst v63  }
0x336: {  	_ =	swait.ge [sflag:s26], $0x200  }
0x337: {  	[sflag:s26] =	ssyncset.done $0x0  }
0x338: {  	[sflag:s26] =	ssyncadd.s32 $0xFFFFFE00  }
0x339: {  	_ =	sfence.sel $0x180000  }
0x33a: {  	[bflag:$0x0] =	sbarrier.arrive $0xFFFF  }
0x33b: {  	_ =	strace $0x90000047  }
0x33c: {  	s0 =	stileid.u32;
	[bflag:$0x2] =	sbarrier.arrive $0xFFFF  }
0x33d: {  	p0 =	sne.s32 s0, $0x0;
	s0 =	rddreg [dreg:$0x6]  }
0x33e: {  	s0 =	sadd.s32 @!p0 $0x100000, s0  }
0x33f: {  	[sflag:s0] =	ssyncadd.tile.s32 @!p0 $0x1;
	_ =	shalt  }
.Lfunc_end2:
_tile_overlayer_lowered:
.L_overlay_start_2:
0x340: {  	(tag) =	ssettag $0x2  }
0x341: {  	s0 =	rddreg [dreg:$0x0];
	s2 =	stileid.u32  }
0x342: {  	s1 =	rddreg [dreg:$0x1];
	p0 =	sne.s32 s2, $0x0  }
0x343: {  	s3 =	rddreg [dreg:$0x2];
	[bflag:$0x3] =	sbarrier.arrive $0xFFFF;
	s2 =	simm.s32 @!p0 $0x1C04  }
0x344: {  	[timem:s3], [sflag:s2] =	dma.local @!p0 [hbm:s0], s1  }
0x345: {  	s0 =	simm.s32 @!p0 $0x4  }
0x346: {  	_ =	swait.ge @!p0 [sflag:s0], s1  }
0x347: {  	s1 =	ssub.s32 @!p0 $0x0, s1;
	[sflag:s0] =	ssyncset.done @!p0 $0x0  }
0x348: {  	[sflag:s0] =	ssyncadd.s32 @!p0 s1  }
0x349: {  	[bflag:$0x3] =	sbarrier.arrive $0xFFFF  }
0x34a: {  	_ =	shalt  }

</sc_bundles>
